<compile_context>
chip_gen: v7x
topology: tpu7x:2x2x1
jax: 0.10.2.dev20260603
libtpu: 0.0.44.dev20260713+nightly
codegen_flags: <defaults>
</compile_context>

<pallas_src>
import functools
import jax
import jax.numpy as jnp
from jax import lax
from jax.experimental import pallas as pl
from jax.experimental.pallas import tpu as pltpu
from jax.experimental.pallas import tpu_sc as plsc

N = 10000
E = 320000
IN_CH = 128
HID_CH = 128
OUT_CH = 64

NC = 2
NS = 16
NW = NC * NS
CHUNK = 128
NCHUNK = 80
EPW = NCHUNK * CHUNK
EPAD = NW * EPW
NT = 10112
RPW = NT // NS
DEGW = 128

_mesh = plsc.VectorSubcoreMesh(core_axis_name="c", subcore_axis_name="s")


def _deg_body(dst_hbm, ones_hbm, zeros_hbm, degp_hbm, dst_v, ones_v, table, sem):
    c = lax.axis_index("c")
    s = lax.axis_index("s")
    w = s * NC + c
    pltpu.sync_copy(dst_hbm.at[pl.ds(w * NCHUNK, NCHUNK)], dst_v)
    pltpu.sync_copy(ones_hbm, ones_v)
    pltpu.sync_copy(zeros_hbm.at[pl.ds(s * RPW, RPW)], table.at[pl.ds(s * RPW, RPW)])
    plsc.subcore_barrier()

    def body(j, carry):
        pltpu.sync_copy(ones_v, table.at[dst_v.at[j]], add=True)
        return carry

    lax.fori_loop(0, NCHUNK, body, 0)
    plsc.subcore_barrier()
    pltpu.sync_copy(table.at[pl.ds(s * RPW, RPW)], degp_hbm.at[c, pl.ds(s * RPW, RPW)])


_deg_kernel = pl.kernel(
    _deg_body,
    out_type=jax.ShapeDtypeStruct((NC, NT, DEGW), jnp.float32),
    mesh=_mesh,
    scratch_types=[
        pltpu.VMEM((NCHUNK, CHUNK), jnp.int32),
        pltpu.VMEM((CHUNK, DEGW), jnp.float32),
        pltpu.VMEM_SHARED((NT, DEGW), jnp.float32),
        pltpu.SemaphoreType.DMA,
    ],
)


NCA = 128
NCB = 32
MAXC = 128
TOTCH = NS * (NCA + NCB)


def _scat_body(g_hbm, src_hbm, dst_hbm, zeros_hbm, out_hbm, src_v, dst_v,
               rows_v, table, sem):
    c = lax.axis_index("c")
    s = lax.axis_index("s")
    choff = jnp.where(c == 0, s * NCA, NS * NCA + s * NCB)
    nch = jnp.where(c == 0, NCA, NCB)
    pltpu.sync_copy(src_hbm.at[pl.ds(choff, MAXC)], src_v)
    pltpu.sync_copy(dst_hbm.at[pl.ds(choff, MAXC)], dst_v)
    pltpu.sync_copy(zeros_hbm.at[pl.ds(s * RPW, RPW)], table.at[pl.ds(s * RPW, RPW)])
    plsc.subcore_barrier()

    def body(j, carry):
        pltpu.async_copy(g_hbm.at[src_v.at[j]], rows_v, sem).wait()
        pltpu.sync_copy(rows_v, table.at[dst_v.at[j]], add=True)
        return carry

    lax.fori_loop(0, nch, body, 0)
    plsc.subcore_barrier()
    pltpu.sync_copy(table.at[pl.ds(s * RPW, RPW)], out_hbm.at[c, pl.ds(s * RPW, RPW)])


def _make_scatter(ch):
    return pl.kernel(
        _scat_body,
        out_type=jax.ShapeDtypeStruct((NC, NT, ch), jnp.float32),
        mesh=_mesh,
        scratch_types=[
            pltpu.VMEM((MAXC, CHUNK), jnp.int32),
            pltpu.VMEM((MAXC, CHUNK), jnp.int32),
            pltpu.VMEM((CHUNK, ch), jnp.float32),
            pltpu.VMEM_SHARED((NT, ch), jnp.float32),
            pltpu.SemaphoreType.DMA,
        ],
    )


_scatter128 = _make_scatter(HID_CH)

ROWB = 1000


def _dinv(degp_ref):
    degsum = degp_ref[0] + degp_ref[1]
    deg = degsum[:, 0:1] + 1.0
    return lax.rsqrt(deg)


def _pre_body(x_ref, w_ref, degp_ref, g_ref):
    dinv = _dinv(degp_ref)
    g_ref[...] = jnp.dot(x_ref[...], w_ref[...],
                         preferred_element_type=jnp.float32) * dinv


def _mid_body(sp_ref, g1_ref, degp_ref, b1_ref, w2_ref, g2_ref):
    dinv = _dinv(degp_ref)
    ssum = sp_ref[0] + sp_ref[1]
    h = jnp.maximum(dinv * (ssum + g1_ref[...]) + b1_ref[...], 0.0)
    g2_ref[...] = jnp.dot(h, w2_ref[...],
                          preferred_element_type=jnp.float32) * dinv


def _fin_body(sp_ref, g2_ref, degp_ref, b2_ref, z_ref):
    dinv = _dinv(degp_ref)
    ssum = sp_ref[0] + sp_ref[1]
    z = jnp.maximum(dinv * (ssum + g2_ref[...]) + b2_ref[...], 0.0)
    z_ref[...] = z[:, :OUT_CH]


_GRID = (N // ROWB,)


def _rows(ch):
    return pl.BlockSpec((ROWB, ch), lambda i: (i, 0))


def _part(ch):
    return pl.BlockSpec((NC, ROWB, ch), lambda i: (0, i, 0))


def _full(r, ch):
    return pl.BlockSpec((r, ch), lambda i: (0, 0))


_pre = pl.pallas_call(
    _pre_body,
    grid=_GRID,
    in_specs=[_rows(IN_CH), _full(IN_CH, HID_CH), _part(DEGW)],
    out_specs=_rows(HID_CH),
    out_shape=jax.ShapeDtypeStruct((N, HID_CH), jnp.float32),
)

_mid = pl.pallas_call(
    _mid_body,
    grid=_GRID,
    in_specs=[_part(HID_CH), _rows(HID_CH), _part(DEGW), _full(1, HID_CH),
              _full(HID_CH, HID_CH)],
    out_specs=_rows(HID_CH),
    out_shape=jax.ShapeDtypeStruct((N, HID_CH), jnp.float32),
)

_fin = pl.pallas_call(
    _fin_body,
    grid=_GRID,
    in_specs=[_part(HID_CH), _rows(HID_CH), _part(DEGW), _full(1, HID_CH)],
    out_specs=_rows(OUT_CH),
    out_shape=jax.ShapeDtypeStruct((N, OUT_CH), jnp.float32),
)


@jax.jit
def _run(x, edge_index, W1, b1, W2, b2):
    ei = edge_index.astype(jnp.int32)
    src = jnp.concatenate([ei[0], jnp.zeros((EPAD - E,), jnp.int32)])
    dst = jnp.concatenate([ei[1], jnp.full((EPAD - E,), N, jnp.int32)])
    src3 = src.reshape(TOTCH, CHUNK)
    dst3 = dst.reshape(TOTCH, CHUNK)

    ones_deg = jnp.ones((CHUNK, DEGW), jnp.float32)
    zeros_deg = jnp.zeros((NT, DEGW), jnp.float32)
    zeros128 = jnp.zeros((NT, HID_CH), jnp.float32)
    W2p = jnp.pad(W2, ((0, 0), (0, HID_CH - OUT_CH)))
    b2p = jnp.pad(b2, (0, HID_CH - OUT_CH))

    degp = _deg_kernel(dst3, ones_deg, zeros_deg)

    g1 = _pre(x, W1, degp)
    s1 = _scatter128(g1, src3, dst3, zeros128)
    g2 = _mid(s1, g1, degp, b1.reshape(1, HID_CH), W2p)
    s2 = _scatter128(g2, src3, dst3, zeros128)
    z = _fin(s2, g2, degp, b2p.reshape(1, HID_CH))
    return z


def kernel(x, edge_index, W1, b1, W2, b2):
    return _run(x, edge_index, W1, b1, W2, b2)

# --- scband reference (transcript-rebuilt; emitter-appended) ---
"""Pipeline reference for scband-gae-6201932775428 (READ-ONLY COPY).

The authoritative reference and input builder live on the scoring server;
editing this copy changes nothing except your own understanding.
"""

import jax, jax.numpy as jnp
import numpy as np

N_NODES = 10000
N_EDGES = 320000
IN_CH = 128
HID_CH = 128
OUT_CH = 64


def gcn_conv(x, edge_index, W, b, num_nodes):
    # GCNConv: x' = D^{-1/2} (A + I) D^{-1/2} (X W) + b
    h = x @ W
    src = edge_index[0]
    dst = edge_index[1]
    # add self loops
    loop = jnp.arange(num_nodes, dtype=edge_index.dtype)
    src = jnp.concatenate([src, loop])
    dst = jnp.concatenate([dst, loop])
    deg = jnp.zeros((num_nodes,), dtype=h.dtype).at[dst].add(1.0)
    dinv = jnp.where(deg > 0, jax.lax.rsqrt(deg), 0.0)
    norm = dinv[src] * dinv[dst]
    msg = h[src] * norm[:, None]
    out = jnp.zeros((num_nodes, h.shape[1]), dtype=h.dtype).at[dst].add(msg)
    return out + b


def setup_inputs(seed: int = 0) -> dict:
    key = jax.random.key(seed)
    k1, k2, k3, k4, k5, k6 = jax.random.split(key, 6)
    x = jax.random.normal(k1, (N_NODES, IN_CH), dtype=jnp.float32)
    edge_index = jax.random.randint(k2, (2, N_EDGES), 0, N_NODES, dtype=jnp.int64)
    s1 = 1.0 / np.sqrt(IN_CH)
    s2 = 1.0 / np.sqrt(HID_CH)
    W1 = jax.random.uniform(k3, (IN_CH, HID_CH), dtype=jnp.float32, minval=-s1, maxval=s1)
    b1 = jnp.zeros((HID_CH,), dtype=jnp.float32)
    W2 = jax.random.uniform(k4, (HID_CH, OUT_CH), dtype=jnp.float32, minval=-s2, maxval=s2)
    b2 = jnp.zeros((OUT_CH,), dtype=jnp.float32)
    return {"x": x, "edge_index": edge_index, "W1": W1, "b1": b1, "W2": W2, "b2": b2}


def reference(x, edge_index, W1, b1, W2, b2):
    num_nodes = x.shape[0]
    h = jax.nn.relu(gcn_conv(x, edge_index, W1, b1, num_nodes))
    z = jax.nn.relu(gcn_conv(h, edge_index, W2, b2, num_nodes))
    return z

if __name__ == "__main__":
    import jax
    _d = setup_inputs()
    print(jax.jit(kernel)(*tuple(_d.values())))

</pallas_src>

<mosaic_0001>
#map = affine_map<(d0, d1) -> (0, 0)>
#map1 = affine_map<(d0, d1) -> (0, 0, 0)>
module attributes {stable_mosaic.version = 14 : i64} {
  func.func @_scat_body(%arg0: i32, %arg1: i32, %arg2: memref<10000x128xf32, #tpu.memory_space<hbm>>, %arg3: memref<2560x128xi32, #tpu.memory_space<hbm>>, %arg4: memref<2560x128xi32, #tpu.memory_space<hbm>>, %arg5: memref<10112x128xf32, #tpu.memory_space<hbm>>, %arg6: memref<2x10112x128xf32, #tpu.memory_space<hbm>>, %arg7: memref<128x128xi32, #tpu.memory_space<vmem>>, %arg8: memref<128x128xi32, #tpu.memory_space<vmem>>, %arg9: memref<128x128xf32, #tpu.memory_space<vmem>>, %arg10: memref<10112x128xf32, #tpu.memory_space<vmem_shared>>, %arg11: memref<!tpu.dma_semaphore, #tpu.memory_space<semaphore_mem>>) attributes {dimension_semantics = [#tpu.dimension_semantics<core_parallel>, #tpu.dimension_semantics<subcore_parallel>], iteration_bounds = array<i64: 2, 16>, scalar_prefetch = 0 : i64, scratch_operands = 5 : i64, tpu.core_type = #tpu.core_type<sc_vector_subcore>, window_params = [{transform_indices = #map}, {transform_indices = #map}, {transform_indices = #map}, {transform_indices = #map}, {transform_indices = #map1}]} {
    %eq3A = arith.constant 0 : i32
    %eq3A_0 = arith.cmpi eq, %arg0, %eq3A : i32
    %mul3A = arith.constant 128 : i32
    %mul3A_1 = arith.muli %arg1, %mul3A : i32
    %mul3A_2 = arith.constant 32 : i32
    %mul3A_3 = arith.muli %arg1, %mul3A_2 : i32
    %add3A = arith.constant 2048 : i32
    %add3A_4 = arith.addi %add3A, %mul3A_3 : i32
    %select_n3A = arith.select %eq3A_0, %mul3A_1, %add3A_4 : i32
    %eq3A_5 = arith.constant 0 : i32
    %eq3A_6 = arith.cmpi eq, %arg0, %eq3A_5 : i32
    %jit3A = arith.constant 128 : i32
    %jit3A_7 = arith.constant 32 : i32
    %select_n3A_8 = arith.select %eq3A_6, %jit3A, %jit3A_7 : i32
    "tpu.region"() ({
      %run_scoped3A = tpu.sem_alloc : memref<!tpu.dma_semaphore, #tpu.memory_space<semaphore_mem>>
      %dma_start3A = arith.constant 0 : i32
      %dma_start3A_27 = tpu.memref_slice %arg3[%select_n3A, %dma_start3A] : memref<2560x128xi32, #tpu.memory_space<hbm>> -> memref<128x128xi32, #tpu.memory_space<hbm>>
      %dma_start3A_28 = arith.constant 0 : i32
      %dma_start3A_29 = tpu.memref_slice %arg3[%select_n3A, %dma_start3A_28] : memref<2560x128xi32, #tpu.memory_space<hbm>> -> memref<128x128xi32, #tpu.memory_space<hbm>>
      tpu.enqueue_dma source(%dma_start3A_29 : memref<128x128xi32, #tpu.memory_space<hbm>>) target(%arg7 : memref<128x128xi32, #tpu.memory_space<vmem>>) target_semaphore(%run_scoped3A : memref<!tpu.dma_semaphore, #tpu.memory_space<semaphore_mem>>)
      %dma_wait3A = arith.constant 0 : i32
      %dma_wait3A_30 = tpu.memref_slice %arg3[%select_n3A, %dma_wait3A] : memref<2560x128xi32, #tpu.memory_space<hbm>> -> memref<128x128xi32, #tpu.memory_space<hbm>>
      %dma_wait3A_31 = arith.constant 0 : i32
      %dma_wait3A_32 = tpu.memref_slice %arg3[%select_n3A, %dma_wait3A_31] : memref<2560x128xi32, #tpu.memory_space<hbm>> -> memref<128x128xi32, #tpu.memory_space<hbm>>
      tpu.wait_dma2 semaphore(%run_scoped3A : memref<!tpu.dma_semaphore, #tpu.memory_space<semaphore_mem>>) src(%dma_wait3A_32 : memref<128x128xi32, #tpu.memory_space<hbm>>) dst(%arg7 : memref<128x128xi32, #tpu.memory_space<vmem>>)
      tpu.yield
    }) : () -> ()
    "tpu.region"() ({
      %run_scoped3A = tpu.sem_alloc : memref<!tpu.dma_semaphore, #tpu.memory_space<semaphore_mem>>
      %dma_start3A = arith.constant 0 : i32
      %dma_start3A_27 = tpu.memref_slice %arg4[%select_n3A, %dma_start3A] : memref<2560x128xi32, #tpu.memory_space<hbm>> -> memref<128x128xi32, #tpu.memory_space<hbm>>
      %dma_start3A_28 = arith.constant 0 : i32
      %dma_start3A_29 = tpu.memref_slice %arg4[%select_n3A, %dma_start3A_28] : memref<2560x128xi32, #tpu.memory_space<hbm>> -> memref<128x128xi32, #tpu.memory_space<hbm>>
      tpu.enqueue_dma source(%dma_start3A_29 : memref<128x128xi32, #tpu.memory_space<hbm>>) target(%arg8 : memref<128x128xi32, #tpu.memory_space<vmem>>) target_semaphore(%run_scoped3A : memref<!tpu.dma_semaphore, #tpu.memory_space<semaphore_mem>>)
      %dma_wait3A = arith.constant 0 : i32
      %dma_wait3A_30 = tpu.memref_slice %arg4[%select_n3A, %dma_wait3A] : memref<2560x128xi32, #tpu.memory_space<hbm>> -> memref<128x128xi32, #tpu.memory_space<hbm>>
      %dma_wait3A_31 = arith.constant 0 : i32
      %dma_wait3A_32 = tpu.memref_slice %arg4[%select_n3A, %dma_wait3A_31] : memref<2560x128xi32, #tpu.memory_space<hbm>> -> memref<128x128xi32, #tpu.memory_space<hbm>>
      tpu.wait_dma2 semaphore(%run_scoped3A : memref<!tpu.dma_semaphore, #tpu.memory_space<semaphore_mem>>) src(%dma_wait3A_32 : memref<128x128xi32, #tpu.memory_space<hbm>>) dst(%arg8 : memref<128x128xi32, #tpu.memory_space<vmem>>)
      tpu.yield
    }) : () -> ()
    %mul3A_9 = arith.constant 632 : i32
    %mul3A_10 = arith.muli %arg1, %mul3A_9 : i32
    %mul3A_11 = arith.constant 632 : i32
    %mul3A_12 = arith.muli %arg1, %mul3A_11 : i32
    "tpu.region"() ({
      %run_scoped3A = tpu.sem_alloc : memref<!tpu.dma_semaphore, #tpu.memory_space<semaphore_mem>>
      %dma_start3A = arith.constant 0 : i32
      %dma_start3A_27 = tpu.memref_slice %arg10[%mul3A_12, %dma_start3A] : memref<10112x128xf32, #tpu.memory_space<vmem_shared>> -> memref<632x128xf32, #tpu.memory_space<vmem_shared>>
      %dma_start3A_28 = arith.constant 0 : i32
      %dma_start3A_29 = tpu.memref_slice %arg5[%mul3A_10, %dma_start3A_28] : memref<10112x128xf32, #tpu.memory_space<hbm>> -> memref<632x128xf32, #tpu.memory_space<hbm>>
      tpu.enqueue_dma source(%dma_start3A_29 : memref<632x128xf32, #tpu.memory_space<hbm>>) target(%dma_start3A_27 : memref<632x128xf32, #tpu.memory_space<vmem_shared>>) target_semaphore(%run_scoped3A : memref<!tpu.dma_semaphore, #tpu.memory_space<semaphore_mem>>)
      %dma_wait3A = arith.constant 0 : i32
      %dma_wait3A_30 = tpu.memref_slice %arg10[%mul3A_12, %dma_wait3A] : memref<10112x128xf32, #tpu.memory_space<vmem_shared>> -> memref<632x128xf32, #tpu.memory_space<vmem_shared>>
      %dma_wait3A_31 = arith.constant 0 : i32
      %dma_wait3A_32 = tpu.memref_slice %arg5[%mul3A_10, %dma_wait3A_31] : memref<10112x128xf32, #tpu.memory_space<hbm>> -> memref<632x128xf32, #tpu.memory_space<hbm>>
      tpu.wait_dma2 semaphore(%run_scoped3A : memref<!tpu.dma_semaphore, #tpu.memory_space<semaphore_mem>>) src(%dma_wait3A_32 : memref<632x128xf32, #tpu.memory_space<hbm>>) dst(%dma_wait3A_30 : memref<632x128xf32, #tpu.memory_space<vmem_shared>>)
      tpu.yield
    }) : () -> ()
    %barrier3A = arith.constant 0 : index
    tpu.barrier barrier_id(%barrier3A)
    %while3A = arith.constant 0 : i32
    %while3A_13 = arith.constant 0 : i32
    %while3A_14 = arith.subi %select_n3A_8, %while3A_13 : i32
    %while3A_15 = arith.addi %while3A_13, %while3A_14 : i32
    %while3A_16 = arith.constant 1 : i32
    %while3A_17 = arith.divsi %while3A_14, %while3A_16 : i32
    %while3A_18 = arith.muli %while3A_17, %while3A_16 : i32
    %while3A_19 = arith.addi %while3A_13, %while3A_18 : i32
    %while3A_20 = arith.constant 1 : i32
    scf.for %while3A_27 = %while3A_13 to %while3A_19 step %while3A_20  : i32 {
      %dma_start3A = arith.constant 0 : i32
      %dma_start3A_28 = tpu.memref_slice %arg7[%while3A_27, %dma_start3A] : memref<128x128xi32, #tpu.memory_space<vmem>> -> memref<1x128xi32, #tpu.memory_space<vmem>>
      %dma_start3A_29 = tpu.memref_squeeze %dma_start3A_28 : memref<1x128xi32, #tpu.memory_space<vmem>> -> memref<128xi32, #tpu.memory_space<vmem>>
      %dma_start3A_30 = arith.constant 0 : i32
      %dma_start3A_31 = arith.constant 0 : i32
      %dma_start3A_32 = tpu.memref_slice %arg2[%dma_start3A_30, %dma_start3A_31] : memref<10000x128xf32, #tpu.memory_space<hbm>> -> memref<10000x128xf32, #tpu.memory_space<hbm>>
      tpu.enqueue_indirect_dma source(%dma_start3A_32 : memref<10000x128xf32, #tpu.memory_space<hbm>>) target(%arg9 : memref<128x128xf32, #tpu.memory_space<vmem>>) offsets(%dma_start3A_29 : memref<128xi32, #tpu.memory_space<vmem>>) semaphore(%arg11 : memref<!tpu.dma_semaphore, #tpu.memory_space<semaphore_mem>>)
      %dma_wait3A = arith.constant 0 : i32
      %dma_wait3A_33 = tpu.memref_slice %arg7[%while3A_27, %dma_wait3A] : memref<128x128xi32, #tpu.memory_space<vmem>> -> memref<1x128xi32, #tpu.memory_space<vmem>>
      %dma_wait3A_34 = tpu.memref_squeeze %dma_wait3A_33 : memref<1x128xi32, #tpu.memory_space<vmem>> -> memref<128xi32, #tpu.memory_space<vmem>>
      %dma_wait3A_35 = arith.constant 0 : i32
      %dma_wait3A_36 = arith.constant 0 : i32
      %dma_wait3A_37 = tpu.memref_slice %arg2[%dma_wait3A_35, %dma_wait3A_36] : memref<10000x128xf32, #tpu.memory_space<hbm>> -> memref<10000x128xf32, #tpu.memory_space<hbm>>
      tpu.wait_indirect_dma semaphore(%arg11 : memref<!tpu.dma_semaphore, #tpu.memory_space<semaphore_mem>>) src(%dma_wait3A_37 : memref<10000x128xf32, #tpu.memory_space<hbm>>) dst(%arg9 : memref<128x128xf32, #tpu.memory_space<vmem>>)
      "tpu.region"() ({
        %run_scoped3A = tpu.sem_alloc : memref<!tpu.dma_semaphore, #tpu.memory_space<semaphore_mem>>
        %dma_start3A_38 = arith.constant 0 : i32
        %dma_start3A_39 = tpu.memref_slice %arg8[%while3A_27, %dma_start3A_38] : memref<128x128xi32, #tpu.memory_space<vmem>> -> memref<1x128xi32, #tpu.memory_space<vmem>>
        %dma_start3A_40 = tpu.memref_squeeze %dma_start3A_39 : memref<1x128xi32, #tpu.memory_space<vmem>> -> memref<128xi32, #tpu.memory_space<vmem>>
        %dma_start3A_41 = arith.constant 0 : i32
        %dma_start3A_42 = arith.constant 0 : i32
        %dma_start3A_43 = tpu.memref_slice %arg10[%dma_start3A_41, %dma_start3A_42] : memref<10112x128xf32, #tpu.memory_space<vmem_shared>> -> memref<10112x128xf32, #tpu.memory_space<vmem_shared>>
        tpu.enqueue_indirect_dma source(%arg9 : memref<128x128xf32, #tpu.memory_space<vmem>>) target(%dma_start3A_43 : memref<10112x128xf32, #tpu.memory_space<vmem_shared>>) offsets(%dma_start3A_40 : memref<128xi32, #tpu.memory_space<vmem>>) semaphore(%run_scoped3A : memref<!tpu.dma_semaphore, #tpu.memory_space<semaphore_mem>>) {add = true}
        %dma_wait3A_44 = arith.constant 0 : i32
        %dma_wait3A_45 = tpu.memref_slice %arg8[%while3A_27, %dma_wait3A_44] : memref<128x128xi32, #tpu.memory_space<vmem>> -> memref<1x128xi32, #tpu.memory_space<vmem>>
        %dma_wait3A_46 = tpu.memref_squeeze %dma_wait3A_45 : memref<1x128xi32, #tpu.memory_space<vmem>> -> memref<128xi32, #tpu.memory_space<vmem>>
        %dma_wait3A_47 = arith.constant 0 : i32
        %dma_wait3A_48 = arith.constant 0 : i32
        %dma_wait3A_49 = tpu.memref_slice %arg10[%dma_wait3A_47, %dma_wait3A_48] : memref<10112x128xf32, #tpu.memory_space<vmem_shared>> -> memref<10112x128xf32, #tpu.memory_space<vmem_shared>>
        tpu.wait_indirect_dma semaphore(%run_scoped3A : memref<!tpu.dma_semaphore, #tpu.memory_space<semaphore_mem>>) src(%arg9 : memref<128x128xf32, #tpu.memory_space<vmem>>) dst(%dma_wait3A_49 : memref<10112x128xf32, #tpu.memory_space<vmem_shared>>)
        tpu.yield
      }) : () -> ()
    }
    %while3A_21 = arith.constant 1 : i32
    scf.for %while3A_27 = %while3A_19 to %while3A_15 step %while3A_21  : i32 {
      %dma_start3A = arith.constant 0 : i32
      %dma_start3A_28 = tpu.memref_slice %arg7[%while3A_27, %dma_start3A] : memref<128x128xi32, #tpu.memory_space<vmem>> -> memref<1x128xi32, #tpu.memory_space<vmem>>
      %dma_start3A_29 = tpu.memref_squeeze %dma_start3A_28 : memref<1x128xi32, #tpu.memory_space<vmem>> -> memref<128xi32, #tpu.memory_space<vmem>>
      %dma_start3A_30 = arith.constant 0 : i32
      %dma_start3A_31 = arith.constant 0 : i32
      %dma_start3A_32 = tpu.memref_slice %arg2[%dma_start3A_30, %dma_start3A_31] : memref<10000x128xf32, #tpu.memory_space<hbm>> -> memref<10000x128xf32, #tpu.memory_space<hbm>>
      tpu.enqueue_indirect_dma source(%dma_start3A_32 : memref<10000x128xf32, #tpu.memory_space<hbm>>) target(%arg9 : memref<128x128xf32, #tpu.memory_space<vmem>>) offsets(%dma_start3A_29 : memref<128xi32, #tpu.memory_space<vmem>>) semaphore(%arg11 : memref<!tpu.dma_semaphore, #tpu.memory_space<semaphore_mem>>)
      %dma_wait3A = arith.constant 0 : i32
      %dma_wait3A_33 = tpu.memref_slice %arg7[%while3A_27, %dma_wait3A] : memref<128x128xi32, #tpu.memory_space<vmem>> -> memref<1x128xi32, #tpu.memory_space<vmem>>
      %dma_wait3A_34 = tpu.memref_squeeze %dma_wait3A_33 : memref<1x128xi32, #tpu.memory_space<vmem>> -> memref<128xi32, #tpu.memory_space<vmem>>
      %dma_wait3A_35 = arith.constant 0 : i32
      %dma_wait3A_36 = arith.constant 0 : i32
      %dma_wait3A_37 = tpu.memref_slice %arg2[%dma_wait3A_35, %dma_wait3A_36] : memref<10000x128xf32, #tpu.memory_space<hbm>> -> memref<10000x128xf32, #tpu.memory_space<hbm>>
      tpu.wait_indirect_dma semaphore(%arg11 : memref<!tpu.dma_semaphore, #tpu.memory_space<semaphore_mem>>) src(%dma_wait3A_37 : memref<10000x128xf32, #tpu.memory_space<hbm>>) dst(%arg9 : memref<128x128xf32, #tpu.memory_space<vmem>>)
      "tpu.region"() ({
        %run_scoped3A = tpu.sem_alloc : memref<!tpu.dma_semaphore, #tpu.memory_space<semaphore_mem>>
        %dma_start3A_38 = arith.constant 0 : i32
        %dma_start3A_39 = tpu.memref_slice %arg8[%while3A_27, %dma_start3A_38] : memref<128x128xi32, #tpu.memory_space<vmem>> -> memref<1x128xi32, #tpu.memory_space<vmem>>
        %dma_start3A_40 = tpu.memref_squeeze %dma_start3A_39 : memref<1x128xi32, #tpu.memory_space<vmem>> -> memref<128xi32, #tpu.memory_space<vmem>>
        %dma_start3A_41 = arith.constant 0 : i32
        %dma_start3A_42 = arith.constant 0 : i32
        %dma_start3A_43 = tpu.memref_slice %arg10[%dma_start3A_41, %dma_start3A_42] : memref<10112x128xf32, #tpu.memory_space<vmem_shared>> -> memref<10112x128xf32, #tpu.memory_space<vmem_shared>>
        tpu.enqueue_indirect_dma source(%arg9 : memref<128x128xf32, #tpu.memory_space<vmem>>) target(%dma_start3A_43 : memref<10112x128xf32, #tpu.memory_space<vmem_shared>>) offsets(%dma_start3A_40 : memref<128xi32, #tpu.memory_space<vmem>>) semaphore(%run_scoped3A : memref<!tpu.dma_semaphore, #tpu.memory_space<semaphore_mem>>) {add = true}
        %dma_wait3A_44 = arith.constant 0 : i32
        %dma_wait3A_45 = tpu.memref_slice %arg8[%while3A_27, %dma_wait3A_44] : memref<128x128xi32, #tpu.memory_space<vmem>> -> memref<1x128xi32, #tpu.memory_space<vmem>>
        %dma_wait3A_46 = tpu.memref_squeeze %dma_wait3A_45 : memref<1x128xi32, #tpu.memory_space<vmem>> -> memref<128xi32, #tpu.memory_space<vmem>>
        %dma_wait3A_47 = arith.constant 0 : i32
        %dma_wait3A_48 = arith.constant 0 : i32
        %dma_wait3A_49 = tpu.memref_slice %arg10[%dma_wait3A_47, %dma_wait3A_48] : memref<10112x128xf32, #tpu.memory_space<vmem_shared>> -> memref<10112x128xf32, #tpu.memory_space<vmem_shared>>
        tpu.wait_indirect_dma semaphore(%run_scoped3A : memref<!tpu.dma_semaphore, #tpu.memory_space<semaphore_mem>>) src(%arg9 : memref<128x128xf32, #tpu.memory_space<vmem>>) dst(%dma_wait3A_49 : memref<10112x128xf32, #tpu.memory_space<vmem_shared>>)
        tpu.yield
      }) : () -> ()
    }
    %barrier3A_22 = arith.constant 0 : index
    tpu.barrier barrier_id(%barrier3A_22)
    %mul3A_23 = arith.constant 632 : i32
    %mul3A_24 = arith.muli %arg1, %mul3A_23 : i32
    %mul3A_25 = arith.constant 632 : i32
    %mul3A_26 = arith.muli %arg1, %mul3A_25 : i32
    "tpu.region"() ({
      %run_scoped3A = tpu.sem_alloc : memref<!tpu.dma_semaphore, #tpu.memory_space<semaphore_mem>>
      %dma_start3A = arith.constant 0 : i32
      %dma_start3A_27 = tpu.memref_slice %arg6[%arg0, %mul3A_26, %dma_start3A] : memref<2x10112x128xf32, #tpu.memory_space<hbm>> -> memref<1x632x128xf32, #tpu.memory_space<hbm>>
      %dma_start3A_28 = tpu.memref_squeeze %dma_start3A_27 : memref<1x632x128xf32, #tpu.memory_space<hbm>> -> memref<632x128xf32, #tpu.memory_space<hbm>>
      %dma_start3A_29 = arith.constant 0 : i32
      %dma_start3A_30 = tpu.memref_slice %arg10[%mul3A_24, %dma_start3A_29] : memref<10112x128xf32, #tpu.memory_space<vmem_shared>> -> memref<632x128xf32, #tpu.memory_space<vmem_shared>>
      tpu.enqueue_dma source(%dma_start3A_30 : memref<632x128xf32, #tpu.memory_space<vmem_shared>>) target(%dma_start3A_28 : memref<632x128xf32, #tpu.memory_space<hbm>>) target_semaphore(%run_scoped3A : memref<!tpu.dma_semaphore, #tpu.memory_space<semaphore_mem>>)
      %dma_wait3A = arith.constant 0 : i32
      %dma_wait3A_31 = tpu.memref_slice %arg6[%arg0, %mul3A_26, %dma_wait3A] : memref<2x10112x128xf32, #tpu.memory_space<hbm>> -> memref<1x632x128xf32, #tpu.memory_space<hbm>>
      %dma_wait3A_32 = tpu.memref_squeeze %dma_wait3A_31 : memref<1x632x128xf32, #tpu.memory_space<hbm>> -> memref<632x128xf32, #tpu.memory_space<hbm>>
      %dma_wait3A_33 = arith.constant 0 : i32
      %dma_wait3A_34 = tpu.memref_slice %arg10[%mul3A_24, %dma_wait3A_33] : memref<10112x128xf32, #tpu.memory_space<vmem_shared>> -> memref<632x128xf32, #tpu.memory_space<vmem_shared>>
      tpu.wait_dma2 semaphore(%run_scoped3A : memref<!tpu.dma_semaphore, #tpu.memory_space<semaphore_mem>>) src(%dma_wait3A_34 : memref<632x128xf32, #tpu.memory_space<vmem_shared>>) dst(%dma_wait3A_32 : memref<632x128xf32, #tpu.memory_space<hbm>>)
      tpu.yield
    }) : () -> ()
    return
  }
}

#map = affine_map<(d0, d1) -> (0, 0)>
#map1 = affine_map<(d0, d1) -> (0, 0, 0)>
module attributes {stable_mosaic.version = 14 : i64} {
  func.func @_deg_body(%arg0: i32, %arg1: i32, %arg2: memref<2560x128xi32, #tpu.memory_space<hbm>>, %arg3: memref<128x128xf32, #tpu.memory_space<hbm>>, %arg4: memref<10112x128xf32, #tpu.memory_space<hbm>>, %arg5: memref<2x10112x128xf32, #tpu.memory_space<hbm>>, %arg6: memref<80x128xi32, #tpu.memory_space<vmem>>, %arg7: memref<128x128xf32, #tpu.memory_space<vmem>>, %arg8: memref<10112x128xf32, #tpu.memory_space<vmem_shared>>, %arg9: memref<!tpu.dma_semaphore, #tpu.memory_space<semaphore_mem>>) attributes {dimension_semantics = [#tpu.dimension_semantics<core_parallel>, #tpu.dimension_semantics<subcore_parallel>], iteration_bounds = array<i64: 2, 16>, scalar_prefetch = 0 : i64, scratch_operands = 4 : i64, tpu.core_type = #tpu.core_type<sc_vector_subcore>, window_params = [{transform_indices = #map}, {transform_indices = #map}, {transform_indices = #map}, {transform_indices = #map1}]} {
    %mul3A = arith.constant 2 : i32
    %mul3A_0 = arith.muli %arg1, %mul3A : i32
    %add3A = arith.addi %mul3A_0, %arg0 : i32
    %mul3A_1 = arith.constant 80 : i32
    %mul3A_2 = arith.muli %add3A, %mul3A_1 : i32
    "tpu.region"() ({
      %run_scoped3A = tpu.sem_alloc : memref<!tpu.dma_semaphore, #tpu.memory_space<semaphore_mem>>
      %dma_start3A = arith.constant 0 : i32
      %dma_start3A_17 = tpu.memref_slice %arg2[%mul3A_2, %dma_start3A] : memref<2560x128xi32, #tpu.memory_space<hbm>> -> memref<80x128xi32, #tpu.memory_space<hbm>>
      %dma_start3A_18 = arith.constant 0 : i32
      %dma_start3A_19 = tpu.memref_slice %arg2[%mul3A_2, %dma_start3A_18] : memref<2560x128xi32, #tpu.memory_space<hbm>> -> memref<80x128xi32, #tpu.memory_space<hbm>>
      tpu.enqueue_dma source(%dma_start3A_19 : memref<80x128xi32, #tpu.memory_space<hbm>>) target(%arg6 : memref<80x128xi32, #tpu.memory_space<vmem>>) target_semaphore(%run_scoped3A : memref<!tpu.dma_semaphore, #tpu.memory_space<semaphore_mem>>)
      %dma_wait3A = arith.constant 0 : i32
      %dma_wait3A_20 = tpu.memref_slice %arg2[%mul3A_2, %dma_wait3A] : memref<2560x128xi32, #tpu.memory_space<hbm>> -> memref<80x128xi32, #tpu.memory_space<hbm>>
      %dma_wait3A_21 = arith.constant 0 : i32
      %dma_wait3A_22 = tpu.memref_slice %arg2[%mul3A_2, %dma_wait3A_21] : memref<2560x128xi32, #tpu.memory_space<hbm>> -> memref<80x128xi32, #tpu.memory_space<hbm>>
      tpu.wait_dma2 semaphore(%run_scoped3A : memref<!tpu.dma_semaphore, #tpu.memory_space<semaphore_mem>>) src(%dma_wait3A_22 : memref<80x128xi32, #tpu.memory_space<hbm>>) dst(%arg6 : memref<80x128xi32, #tpu.memory_space<vmem>>)
      tpu.yield
    }) : () -> ()
    "tpu.region"() ({
      %run_scoped3A = tpu.sem_alloc : memref<!tpu.dma_semaphore, #tpu.memory_space<semaphore_mem>>
      tpu.enqueue_dma source(%arg3 : memref<128x128xf32, #tpu.memory_space<hbm>>) target(%arg7 : memref<128x128xf32, #tpu.memory_space<vmem>>) target_semaphore(%run_scoped3A : memref<!tpu.dma_semaphore, #tpu.memory_space<semaphore_mem>>)
      tpu.wait_dma2 semaphore(%run_scoped3A : memref<!tpu.dma_semaphore, #tpu.memory_space<semaphore_mem>>) src(%arg3 : memref<128x128xf32, #tpu.memory_space<hbm>>) dst(%arg7 : memref<128x128xf32, #tpu.memory_space<vmem>>)
      tpu.yield
    }) : () -> ()
    %mul3A_3 = arith.constant 632 : i32
    %mul3A_4 = arith.muli %arg1, %mul3A_3 : i32
    %mul3A_5 = arith.constant 632 : i32
    %mul3A_6 = arith.muli %arg1, %mul3A_5 : i32
    "tpu.region"() ({
      %run_scoped3A = tpu.sem_alloc : memref<!tpu.dma_semaphore, #tpu.memory_space<semaphore_mem>>
      %dma_start3A = arith.constant 0 : i32
      %dma_start3A_17 = tpu.memref_slice %arg8[%mul3A_6, %dma_start3A] : memref<10112x128xf32, #tpu.memory_space<vmem_shared>> -> memref<632x128xf32, #tpu.memory_space<vmem_shared>>
      %dma_start3A_18 = arith.constant 0 : i32
      %dma_start3A_19 = tpu.memref_slice %arg4[%mul3A_4, %dma_start3A_18] : memref<10112x128xf32, #tpu.memory_space<hbm>> -> memref<632x128xf32, #tpu.memory_space<hbm>>
      tpu.enqueue_dma source(%dma_start3A_19 : memref<632x128xf32, #tpu.memory_space<hbm>>) target(%dma_start3A_17 : memref<632x128xf32, #tpu.memory_space<vmem_shared>>) target_semaphore(%run_scoped3A : memref<!tpu.dma_semaphore, #tpu.memory_space<semaphore_mem>>)
      %dma_wait3A = arith.constant 0 : i32
      %dma_wait3A_20 = tpu.memref_slice %arg8[%mul3A_6, %dma_wait3A] : memref<10112x128xf32, #tpu.memory_space<vmem_shared>> -> memref<632x128xf32, #tpu.memory_space<vmem_shared>>
      %dma_wait3A_21 = arith.constant 0 : i32
      %dma_wait3A_22 = tpu.memref_slice %arg4[%mul3A_4, %dma_wait3A_21] : memref<10112x128xf32, #tpu.memory_space<hbm>> -> memref<632x128xf32, #tpu.memory_space<hbm>>
      tpu.wait_dma2 semaphore(%run_scoped3A : memref<!tpu.dma_semaphore, #tpu.memory_space<semaphore_mem>>) src(%dma_wait3A_22 : memref<632x128xf32, #tpu.memory_space<hbm>>) dst(%dma_wait3A_20 : memref<632x128xf32, #tpu.memory_space<vmem_shared>>)
      tpu.yield
    }) : () -> ()
    %barrier3A = arith.constant 0 : index
    tpu.barrier barrier_id(%barrier3A)
    %scan3A = arith.constant 0 : i32
    %scan3A_7 = arith.constant 0 : i32
    %scan3A_8 = arith.constant 80 : i32
    %scan3A_9 = arith.addi %scan3A_7, %scan3A_8 : i32
    %scan3A_10 = arith.constant 1 : i32
    scf.for %scan3A_17 = %scan3A_7 to %scan3A_9 step %scan3A_10  : i32 {
      "tpu.region"() ({
        %run_scoped3A = tpu.sem_alloc : memref<!tpu.dma_semaphore, #tpu.memory_space<semaphore_mem>>
        %dma_start3A = arith.constant 0 : i32
        %dma_start3A_18 = tpu.memref_slice %arg6[%scan3A_17, %dma_start3A] : memref<80x128xi32, #tpu.memory_space<vmem>> -> memref<1x128xi32, #tpu.memory_space<vmem>>
        %dma_start3A_19 = tpu.memref_squeeze %dma_start3A_18 : memref<1x128xi32, #tpu.memory_space<vmem>> -> memref<128xi32, #tpu.memory_space<vmem>>
        %dma_start3A_20 = arith.constant 0 : i32
        %dma_start3A_21 = arith.constant 0 : i32
        %dma_start3A_22 = tpu.memref_slice %arg8[%dma_start3A_20, %dma_start3A_21] : memref<10112x128xf32, #tpu.memory_space<vmem_shared>> -> memref<10112x128xf32, #tpu.memory_space<vmem_shared>>
        tpu.enqueue_indirect_dma source(%arg7 : memref<128x128xf32, #tpu.memory_space<vmem>>) target(%dma_start3A_22 : memref<10112x128xf32, #tpu.memory_space<vmem_shared>>) offsets(%dma_start3A_19 : memref<128xi32, #tpu.memory_space<vmem>>) semaphore(%run_scoped3A : memref<!tpu.dma_semaphore, #tpu.memory_space<semaphore_mem>>) {add = true}
        %dma_wait3A = arith.constant 0 : i32
        %dma_wait3A_23 = tpu.memref_slice %arg6[%scan3A_17, %dma_wait3A] : memref<80x128xi32, #tpu.memory_space<vmem>> -> memref<1x128xi32, #tpu.memory_space<vmem>>
        %dma_wait3A_24 = tpu.memref_squeeze %dma_wait3A_23 : memref<1x128xi32, #tpu.memory_space<vmem>> -> memref<128xi32, #tpu.memory_space<vmem>>
        %dma_wait3A_25 = arith.constant 0 : i32
        %dma_wait3A_26 = arith.constant 0 : i32
        %dma_wait3A_27 = tpu.memref_slice %arg8[%dma_wait3A_25, %dma_wait3A_26] : memref<10112x128xf32, #tpu.memory_space<vmem_shared>> -> memref<10112x128xf32, #tpu.memory_space<vmem_shared>>
        tpu.wait_indirect_dma semaphore(%run_scoped3A : memref<!tpu.dma_semaphore, #tpu.memory_space<semaphore_mem>>) src(%arg7 : memref<128x128xf32, #tpu.memory_space<vmem>>) dst(%dma_wait3A_27 : memref<10112x128xf32, #tpu.memory_space<vmem_shared>>)
        tpu.yield
      }) : () -> ()
    }
    %scan3A_11 = arith.constant 80 : i32
    %barrier3A_12 = arith.constant 0 : index
    tpu.barrier barrier_id(%barrier3A_12)
    %mul3A_13 = arith.constant 632 : i32
    %mul3A_14 = arith.muli %arg1, %mul3A_13 : i32
    %mul3A_15 = arith.constant 632 : i32
    %mul3A_16 = arith.muli %arg1, %mul3A_15 : i32
    "tpu.region"() ({
      %run_scoped3A = tpu.sem_alloc : memref<!tpu.dma_semaphore, #tpu.memory_space<semaphore_mem>>
      %dma_start3A = arith.constant 0 : i32
      %dma_start3A_17 = tpu.memref_slice %arg5[%arg0, %mul3A_16, %dma_start3A] : memref<2x10112x128xf32, #tpu.memory_space<hbm>> -> memref<1x632x128xf32, #tpu.memory_space<hbm>>
      %dma_start3A_18 = tpu.memref_squeeze %dma_start3A_17 : memref<1x632x128xf32, #tpu.memory_space<hbm>> -> memref<632x128xf32, #tpu.memory_space<hbm>>
      %dma_start3A_19 = arith.constant 0 : i32
      %dma_start3A_20 = tpu.memref_slice %arg8[%mul3A_14, %dma_start3A_19] : memref<10112x128xf32, #tpu.memory_space<vmem_shared>> -> memref<632x128xf32, #tpu.memory_space<vmem_shared>>
      tpu.enqueue_dma source(%dma_start3A_20 : memref<632x128xf32, #tpu.memory_space<vmem_shared>>) target(%dma_start3A_18 : memref<632x128xf32, #tpu.memory_space<hbm>>) target_semaphore(%run_scoped3A : memref<!tpu.dma_semaphore, #tpu.memory_space<semaphore_mem>>)
      %dma_wait3A = arith.constant 0 : i32
      %dma_wait3A_21 = tpu.memref_slice %arg5[%arg0, %mul3A_16, %dma_wait3A] : memref<2x10112x128xf32, #tpu.memory_space<hbm>> -> memref<1x632x128xf32, #tpu.memory_space<hbm>>
      %dma_wait3A_22 = tpu.memref_squeeze %dma_wait3A_21 : memref<1x632x128xf32, #tpu.memory_space<hbm>> -> memref<632x128xf32, #tpu.memory_space<hbm>>
      %dma_wait3A_23 = arith.constant 0 : i32
      %dma_wait3A_24 = tpu.memref_slice %arg8[%mul3A_14, %dma_wait3A_23] : memref<10112x128xf32, #tpu.memory_space<vmem_shared>> -> memref<632x128xf32, #tpu.memory_space<vmem_shared>>
      tpu.wait_dma2 semaphore(%run_scoped3A : memref<!tpu.dma_semaphore, #tpu.memory_space<semaphore_mem>>) src(%dma_wait3A_24 : memref<632x128xf32, #tpu.memory_space<vmem_shared>>) dst(%dma_wait3A_22 : memref<632x128xf32, #tpu.memory_space<hbm>>)
      tpu.yield
    }) : () -> ()
    return
  }
}

#map = affine_map<(d0, d1) -> (0, 0)>
#map1 = affine_map<(d0, d1) -> (0, 0, 0)>
module attributes {stable_mosaic.version = 14 : i64} {
  func.func @_scat_body(%arg0: i32, %arg1: i32, %arg2: memref<10000x128xf32, #tpu.memory_space<hbm>>, %arg3: memref<2560x128xi32, #tpu.memory_space<hbm>>, %arg4: memref<2560x128xi32, #tpu.memory_space<hbm>>, %arg5: memref<10112x128xf32, #tpu.memory_space<hbm>>, %arg6: memref<2x10112x128xf32, #tpu.memory_space<hbm>>, %arg7: memref<128x128xi32, #tpu.memory_space<vmem>>, %arg8: memref<128x128xi32, #tpu.memory_space<vmem>>, %arg9: memref<128x128xf32, #tpu.memory_space<vmem>>, %arg10: memref<10112x128xf32, #tpu.memory_space<vmem_shared>>, %arg11: memref<!tpu.dma_semaphore, #tpu.memory_space<semaphore_mem>>) attributes {dimension_semantics = [#tpu.dimension_semantics<core_parallel>, #tpu.dimension_semantics<subcore_parallel>], iteration_bounds = array<i64: 2, 16>, scalar_prefetch = 0 : i64, scratch_operands = 5 : i64, tpu.core_type = #tpu.core_type<sc_vector_subcore>, window_params = [{transform_indices = #map}, {transform_indices = #map}, {transform_indices = #map}, {transform_indices = #map}, {transform_indices = #map1}]} {
    %eq3A = arith.constant 0 : i32
    %eq3A_0 = arith.cmpi eq, %arg0, %eq3A : i32
    %mul3A = arith.constant 128 : i32
    %mul3A_1 = arith.muli %arg1, %mul3A : i32
    %mul3A_2 = arith.constant 32 : i32
    %mul3A_3 = arith.muli %arg1, %mul3A_2 : i32
    %add3A = arith.constant 2048 : i32
    %add3A_4 = arith.addi %add3A, %mul3A_3 : i32
    %select_n3A = arith.select %eq3A_0, %mul3A_1, %add3A_4 : i32
    %eq3A_5 = arith.constant 0 : i32
    %eq3A_6 = arith.cmpi eq, %arg0, %eq3A_5 : i32
    %jit3A = arith.constant 128 : i32
    %jit3A_7 = arith.constant 32 : i32
    %select_n3A_8 = arith.select %eq3A_6, %jit3A, %jit3A_7 : i32
    "tpu.region"() ({
      %run_scoped3A = tpu.sem_alloc : memref<!tpu.dma_semaphore, #tpu.memory_space<semaphore_mem>>
      %dma_start3A = arith.constant 0 : i32
      %dma_start3A_27 = tpu.memref_slice %arg3[%select_n3A, %dma_start3A] : memref<2560x128xi32, #tpu.memory_space<hbm>> -> memref<128x128xi32, #tpu.memory_space<hbm>>
      %dma_start3A_28 = arith.constant 0 : i32
      %dma_start3A_29 = tpu.memref_slice %arg3[%select_n3A, %dma_start3A_28] : memref<2560x128xi32, #tpu.memory_space<hbm>> -> memref<128x128xi32, #tpu.memory_space<hbm>>
      tpu.enqueue_dma source(%dma_start3A_29 : memref<128x128xi32, #tpu.memory_space<hbm>>) target(%arg7 : memref<128x128xi32, #tpu.memory_space<vmem>>) target_semaphore(%run_scoped3A : memref<!tpu.dma_semaphore, #tpu.memory_space<semaphore_mem>>)
      %dma_wait3A = arith.constant 0 : i32
      %dma_wait3A_30 = tpu.memref_slice %arg3[%select_n3A, %dma_wait3A] : memref<2560x128xi32, #tpu.memory_space<hbm>> -> memref<128x128xi32, #tpu.memory_space<hbm>>
      %dma_wait3A_31 = arith.constant 0 : i32
      %dma_wait3A_32 = tpu.memref_slice %arg3[%select_n3A, %dma_wait3A_31] : memref<2560x128xi32, #tpu.memory_space<hbm>> -> memref<128x128xi32, #tpu.memory_space<hbm>>
      tpu.wait_dma2 semaphore(%run_scoped3A : memref<!tpu.dma_semaphore, #tpu.memory_space<semaphore_mem>>) src(%dma_wait3A_32 : memref<128x128xi32, #tpu.memory_space<hbm>>) dst(%arg7 : memref<128x128xi32, #tpu.memory_space<vmem>>)
      tpu.yield
    }) : () -> ()
    "tpu.region"() ({
      %run_scoped3A = tpu.sem_alloc : memref<!tpu.dma_semaphore, #tpu.memory_space<semaphore_mem>>
      %dma_start3A = arith.constant 0 : i32
      %dma_start3A_27 = tpu.memref_slice %arg4[%select_n3A, %dma_start3A] : memref<2560x128xi32, #tpu.memory_space<hbm>> -> memref<128x128xi32, #tpu.memory_space<hbm>>
      %dma_start3A_28 = arith.constant 0 : i32
      %dma_start3A_29 = tpu.memref_slice %arg4[%select_n3A, %dma_start3A_28] : memref<2560x128xi32, #tpu.memory_space<hbm>> -> memref<128x128xi32, #tpu.memory_space<hbm>>
      tpu.enqueue_dma source(%dma_start3A_29 : memref<128x128xi32, #tpu.memory_space<hbm>>) target(%arg8 : memref<128x128xi32, #tpu.memory_space<vmem>>) target_semaphore(%run_scoped3A : memref<!tpu.dma_semaphore, #tpu.memory_space<semaphore_mem>>)
      %dma_wait3A = arith.constant 0 : i32
      %dma_wait3A_30 = tpu.memref_slice %arg4[%select_n3A, %dma_wait3A] : memref<2560x128xi32, #tpu.memory_space<hbm>> -> memref<128x128xi32, #tpu.memory_space<hbm>>
      %dma_wait3A_31 = arith.constant 0 : i32
      %dma_wait3A_32 = tpu.memref_slice %arg4[%select_n3A, %dma_wait3A_31] : memref<2560x128xi32, #tpu.memory_space<hbm>> -> memref<128x128xi32, #tpu.memory_space<hbm>>
      tpu.wait_dma2 semaphore(%run_scoped3A : memref<!tpu.dma_semaphore, #tpu.memory_space<semaphore_mem>>) src(%dma_wait3A_32 : memref<128x128xi32, #tpu.memory_space<hbm>>) dst(%arg8 : memref<128x128xi32, #tpu.memory_space<vmem>>)
      tpu.yield
    }) : () -> ()
    %mul3A_9 = arith.constant 632 : i32
    %mul3A_10 = arith.muli %arg1, %mul3A_9 : i32
    %mul3A_11 = arith.constant 632 : i32
    %mul3A_12 = arith.muli %arg1, %mul3A_11 : i32
    "tpu.region"() ({
      %run_scoped3A = tpu.sem_alloc : memref<!tpu.dma_semaphore, #tpu.memory_space<semaphore_mem>>
      %dma_start3A = arith.constant 0 : i32
      %dma_start3A_27 = tpu.memref_slice %arg10[%mul3A_12, %dma_start3A] : memref<10112x128xf32, #tpu.memory_space<vmem_shared>> -> memref<632x128xf32, #tpu.memory_space<vmem_shared>>
      %dma_start3A_28 = arith.constant 0 : i32
      %dma_start3A_29 = tpu.memref_slice %arg5[%mul3A_10, %dma_start3A_28] : memref<10112x128xf32, #tpu.memory_space<hbm>> -> memref<632x128xf32, #tpu.memory_space<hbm>>
      tpu.enqueue_dma source(%dma_start3A_29 : memref<632x128xf32, #tpu.memory_space<hbm>>) target(%dma_start3A_27 : memref<632x128xf32, #tpu.memory_space<vmem_shared>>) target_semaphore(%run_scoped3A : memref<!tpu.dma_semaphore, #tpu.memory_space<semaphore_mem>>)
      %dma_wait3A = arith.constant 0 : i32
      %dma_wait3A_30 = tpu.memref_slice %arg10[%mul3A_12, %dma_wait3A] : memref<10112x128xf32, #tpu.memory_space<vmem_shared>> -> memref<632x128xf32, #tpu.memory_space<vmem_shared>>
      %dma_wait3A_31 = arith.constant 0 : i32
      %dma_wait3A_32 = tpu.memref_slice %arg5[%mul3A_10, %dma_wait3A_31] : memref<10112x128xf32, #tpu.memory_space<hbm>> -> memref<632x128xf32, #tpu.memory_space<hbm>>
      tpu.wait_dma2 semaphore(%run_scoped3A : memref<!tpu.dma_semaphore, #tpu.memory_space<semaphore_mem>>) src(%dma_wait3A_32 : memref<632x128xf32, #tpu.memory_space<hbm>>) dst(%dma_wait3A_30 : memref<632x128xf32, #tpu.memory_space<vmem_shared>>)
      tpu.yield
    }) : () -> ()
    %barrier3A = arith.constant 0 : index
    tpu.barrier barrier_id(%barrier3A)
    %while3A = arith.constant 0 : i32
    %while3A_13 = arith.constant 0 : i32
    %while3A_14 = arith.subi %select_n3A_8, %while3A_13 : i32
    %while3A_15 = arith.addi %while3A_13, %while3A_14 : i32
    %while3A_16 = arith.constant 1 : i32
    %while3A_17 = arith.divsi %while3A_14, %while3A_16 : i32
    %while3A_18 = arith.muli %while3A_17, %while3A_16 : i32
    %while3A_19 = arith.addi %while3A_13, %while3A_18 : i32
    %while3A_20 = arith.constant 1 : i32
    scf.for %while3A_27 = %while3A_13 to %while3A_19 step %while3A_20  : i32 {
      %dma_start3A = arith.constant 0 : i32
      %dma_start3A_28 = tpu.memref_slice %arg7[%while3A_27, %dma_start3A] : memref<128x128xi32, #tpu.memory_space<vmem>> -> memref<1x128xi32, #tpu.memory_space<vmem>>
      %dma_start3A_29 = tpu.memref_squeeze %dma_start3A_28 : memref<1x128xi32, #tpu.memory_space<vmem>> -> memref<128xi32, #tpu.memory_space<vmem>>
      %dma_start3A_30 = arith.constant 0 : i32
      %dma_start3A_31 = arith.constant 0 : i32
      %dma_start3A_32 = tpu.memref_slice %arg2[%dma_start3A_30, %dma_start3A_31] : memref<10000x128xf32, #tpu.memory_space<hbm>> -> memref<10000x128xf32, #tpu.memory_space<hbm>>
      tpu.enqueue_indirect_dma source(%dma_start3A_32 : memref<10000x128xf32, #tpu.memory_space<hbm>>) target(%arg9 : memref<128x128xf32, #tpu.memory_space<vmem>>) offsets(%dma_start3A_29 : memref<128xi32, #tpu.memory_space<vmem>>) semaphore(%arg11 : memref<!tpu.dma_semaphore, #tpu.memory_space<semaphore_mem>>)
      %dma_wait3A = arith.constant 0 : i32
      %dma_wait3A_33 = tpu.memref_slice %arg7[%while3A_27, %dma_wait3A] : memref<128x128xi32, #tpu.memory_space<vmem>> -> memref<1x128xi32, #tpu.memory_space<vmem>>
      %dma_wait3A_34 = tpu.memref_squeeze %dma_wait3A_33 : memref<1x128xi32, #tpu.memory_space<vmem>> -> memref<128xi32, #tpu.memory_space<vmem>>
      %dma_wait3A_35 = arith.constant 0 : i32
      %dma_wait3A_36 = arith.constant 0 : i32
      %dma_wait3A_37 = tpu.memref_slice %arg2[%dma_wait3A_35, %dma_wait3A_36] : memref<10000x128xf32, #tpu.memory_space<hbm>> -> memref<10000x128xf32, #tpu.memory_space<hbm>>
      tpu.wait_indirect_dma semaphore(%arg11 : memref<!tpu.dma_semaphore, #tpu.memory_space<semaphore_mem>>) src(%dma_wait3A_37 : memref<10000x128xf32, #tpu.memory_space<hbm>>) dst(%arg9 : memref<128x128xf32, #tpu.memory_space<vmem>>)
      "tpu.region"() ({
        %run_scoped3A = tpu.sem_alloc : memref<!tpu.dma_semaphore, #tpu.memory_space<semaphore_mem>>
        %dma_start3A_38 = arith.constant 0 : i32
        %dma_start3A_39 = tpu.memref_slice %arg8[%while3A_27, %dma_start3A_38] : memref<128x128xi32, #tpu.memory_space<vmem>> -> memref<1x128xi32, #tpu.memory_space<vmem>>
        %dma_start3A_40 = tpu.memref_squeeze %dma_start3A_39 : memref<1x128xi32, #tpu.memory_space<vmem>> -> memref<128xi32, #tpu.memory_space<vmem>>
        %dma_start3A_41 = arith.constant 0 : i32
        %dma_start3A_42 = arith.constant 0 : i32
        %dma_start3A_43 = tpu.memref_slice %arg10[%dma_start3A_41, %dma_start3A_42] : memref<10112x128xf32, #tpu.memory_space<vmem_shared>> -> memref<10112x128xf32, #tpu.memory_space<vmem_shared>>
        tpu.enqueue_indirect_dma source(%arg9 : memref<128x128xf32, #tpu.memory_space<vmem>>) target(%dma_start3A_43 : memref<10112x128xf32, #tpu.memory_space<vmem_shared>>) offsets(%dma_start3A_40 : memref<128xi32, #tpu.memory_space<vmem>>) semaphore(%run_scoped3A : memref<!tpu.dma_semaphore, #tpu.memory_space<semaphore_mem>>) {add = true}
        %dma_wait3A_44 = arith.constant 0 : i32
        %dma_wait3A_45 = tpu.memref_slice %arg8[%while3A_27, %dma_wait3A_44] : memref<128x128xi32, #tpu.memory_space<vmem>> -> memref<1x128xi32, #tpu.memory_space<vmem>>
        %dma_wait3A_46 = tpu.memref_squeeze %dma_wait3A_45 : memref<1x128xi32, #tpu.memory_space<vmem>> -> memref<128xi32, #tpu.memory_space<vmem>>
        %dma_wait3A_47 = arith.constant 0 : i32
        %dma_wait3A_48 = arith.constant 0 : i32
        %dma_wait3A_49 = tpu.memref_slice %arg10[%dma_wait3A_47, %dma_wait3A_48] : memref<10112x128xf32, #tpu.memory_space<vmem_shared>> -> memref<10112x128xf32, #tpu.memory_space<vmem_shared>>
        tpu.wait_indirect_dma semaphore(%run_scoped3A : memref<!tpu.dma_semaphore, #tpu.memory_space<semaphore_mem>>) src(%arg9 : memref<128x128xf32, #tpu.memory_space<vmem>>) dst(%dma_wait3A_49 : memref<10112x128xf32, #tpu.memory_space<vmem_shared>>)
        tpu.yield
      }) : () -> ()
    }
    %while3A_21 = arith.constant 1 : i32
    scf.for %while3A_27 = %while3A_19 to %while3A_15 step %while3A_21  : i32 {
      %dma_start3A = arith.constant 0 : i32
      %dma_start3A_28 = tpu.memref_slice %arg7[%while3A_27, %dma_start3A] : memref<128x128xi32, #tpu.memory_space<vmem>> -> memref<1x128xi32, #tpu.memory_space<vmem>>
      %dma_start3A_29 = tpu.memref_squeeze %dma_start3A_28 : memref<1x128xi32, #tpu.memory_space<vmem>> -> memref<128xi32, #tpu.memory_space<vmem>>
      %dma_start3A_30 = arith.constant 0 : i32
      %dma_start3A_31 = arith.constant 0 : i32
      %dma_start3A_32 = tpu.memref_slice %arg2[%dma_start3A_30, %dma_start3A_31] : memref<10000x128xf32, #tpu.memory_space<hbm>> -> memref<10000x128xf32, #tpu.memory_space<hbm>>
      tpu.enqueue_indirect_dma source(%dma_start3A_32 : memref<10000x128xf32, #tpu.memory_space<hbm>>) target(%arg9 : memref<128x128xf32, #tpu.memory_space<vmem>>) offsets(%dma_start3A_29 : memref<128xi32, #tpu.memory_space<vmem>>) semaphore(%arg11 : memref<!tpu.dma_semaphore, #tpu.memory_space<semaphore_mem>>)
      %dma_wait3A = arith.constant 0 : i32
      %dma_wait3A_33 = tpu.memref_slice %arg7[%while3A_27, %dma_wait3A] : memref<128x128xi32, #tpu.memory_space<vmem>> -> memref<1x128xi32, #tpu.memory_space<vmem>>
      %dma_wait3A_34 = tpu.memref_squeeze %dma_wait3A_33 : memref<1x128xi32, #tpu.memory_space<vmem>> -> memref<128xi32, #tpu.memory_space<vmem>>
      %dma_wait3A_35 = arith.constant 0 : i32
      %dma_wait3A_36 = arith.constant 0 : i32
      %dma_wait3A_37 = tpu.memref_slice %arg2[%dma_wait3A_35, %dma_wait3A_36] : memref<10000x128xf32, #tpu.memory_space<hbm>> -> memref<10000x128xf32, #tpu.memory_space<hbm>>
      tpu.wait_indirect_dma semaphore(%arg11 : memref<!tpu.dma_semaphore, #tpu.memory_space<semaphore_mem>>) src(%dma_wait3A_37 : memref<10000x128xf32, #tpu.memory_space<hbm>>) dst(%arg9 : memref<128x128xf32, #tpu.memory_space<vmem>>)
      "tpu.region"() ({
        %run_scoped3A = tpu.sem_alloc : memref<!tpu.dma_semaphore, #tpu.memory_space<semaphore_mem>>
        %dma_start3A_38 = arith.constant 0 : i32
        %dma_start3A_39 = tpu.memref_slice %arg8[%while3A_27, %dma_start3A_38] : memref<128x128xi32, #tpu.memory_space<vmem>> -> memref<1x128xi32, #tpu.memory_space<vmem>>
        %dma_start3A_40 = tpu.memref_squeeze %dma_start3A_39 : memref<1x128xi32, #tpu.memory_space<vmem>> -> memref<128xi32, #tpu.memory_space<vmem>>
        %dma_start3A_41 = arith.constant 0 : i32
        %dma_start3A_42 = arith.constant 0 : i32
        %dma_start3A_43 = tpu.memref_slice %arg10[%dma_start3A_41, %dma_start3A_42] : memref<10112x128xf32, #tpu.memory_space<vmem_shared>> -> memref<10112x128xf32, #tpu.memory_space<vmem_shared>>
        tpu.enqueue_indirect_dma source(%arg9 : memref<128x128xf32, #tpu.memory_space<vmem>>) target(%dma_start3A_43 : memref<10112x128xf32, #tpu.memory_space<vmem_shared>>) offsets(%dma_start3A_40 : memref<128xi32, #tpu.memory_space<vmem>>) semaphore(%run_scoped3A : memref<!tpu.dma_semaphore, #tpu.memory_space<semaphore_mem>>) {add = true}
        %dma_wait3A_44 = arith.constant 0 : i32
        %dma_wait3A_45 = tpu.memref_slice %arg8[%while3A_27, %dma_wait3A_44] : memref<128x128xi32, #tpu.memory_space<vmem>> -> memref<1x128xi32, #tpu.memory_space<vmem>>
        %dma_wait3A_46 = tpu.memref_squeeze %dma_wait3A_45 : memref<1x128xi32, #tpu.memory_space<vmem>> -> memref<128xi32, #tpu.memory_space<vmem>>
        %dma_wait3A_47 = arith.constant 0 : i32
        %dma_wait3A_48 = arith.constant 0 : i32
        %dma_wait3A_49 = tpu.memref_slice %arg10[%dma_wait3A_47, %dma_wait3A_48] : memref<10112x128xf32, #tpu.memory_space<vmem_shared>> -> memref<10112x128xf32, #tpu.memory_space<vmem_shared>>
        tpu.wait_indirect_dma semaphore(%run_scoped3A : memref<!tpu.dma_semaphore, #tpu.memory_space<semaphore_mem>>) src(%arg9 : memref<128x128xf32, #tpu.memory_space<vmem>>) dst(%dma_wait3A_49 : memref<10112x128xf32, #tpu.memory_space<vmem_shared>>)
        tpu.yield
      }) : () -> ()
    }
    %barrier3A_22 = arith.constant 0 : index
    tpu.barrier barrier_id(%barrier3A_22)
    %mul3A_23 = arith.constant 632 : i32
    %mul3A_24 = arith.muli %arg1, %mul3A_23 : i32
    %mul3A_25 = arith.constant 632 : i32
    %mul3A_26 = arith.muli %arg1, %mul3A_25 : i32
    "tpu.region"() ({
      %run_scoped3A = tpu.sem_alloc : memref<!tpu.dma_semaphore, #tpu.memory_space<semaphore_mem>>
      %dma_start3A = arith.constant 0 : i32
      %dma_start3A_27 = tpu.memref_slice %arg6[%arg0, %mul3A_26, %dma_start3A] : memref<2x10112x128xf32, #tpu.memory_space<hbm>> -> memref<1x632x128xf32, #tpu.memory_space<hbm>>
      %dma_start3A_28 = tpu.memref_squeeze %dma_start3A_27 : memref<1x632x128xf32, #tpu.memory_space<hbm>> -> memref<632x128xf32, #tpu.memory_space<hbm>>
      %dma_start3A_29 = arith.constant 0 : i32
      %dma_start3A_30 = tpu.memref_slice %arg10[%mul3A_24, %dma_start3A_29] : memref<10112x128xf32, #tpu.memory_space<vmem_shared>> -> memref<632x128xf32, #tpu.memory_space<vmem_shared>>
      tpu.enqueue_dma source(%dma_start3A_30 : memref<632x128xf32, #tpu.memory_space<vmem_shared>>) target(%dma_start3A_28 : memref<632x128xf32, #tpu.memory_space<hbm>>) target_semaphore(%run_scoped3A : memref<!tpu.dma_semaphore, #tpu.memory_space<semaphore_mem>>)
      %dma_wait3A = arith.constant 0 : i32
      %dma_wait3A_31 = tpu.memref_slice %arg6[%arg0, %mul3A_26, %dma_wait3A] : memref<2x10112x128xf32, #tpu.memory_space<hbm>> -> memref<1x632x128xf32, #tpu.memory_space<hbm>>
      %dma_wait3A_32 = tpu.memref_squeeze %dma_wait3A_31 : memref<1x632x128xf32, #tpu.memory_space<hbm>> -> memref<632x128xf32, #tpu.memory_space<hbm>>
      %dma_wait3A_33 = arith.constant 0 : i32
      %dma_wait3A_34 = tpu.memref_slice %arg10[%mul3A_24, %dma_wait3A_33] : memref<10112x128xf32, #tpu.memory_space<vmem_shared>> -> memref<632x128xf32, #tpu.memory_space<vmem_shared>>
      tpu.wait_dma2 semaphore(%run_scoped3A : memref<!tpu.dma_semaphore, #tpu.memory_space<semaphore_mem>>) src(%dma_wait3A_34 : memref<632x128xf32, #tpu.memory_space<vmem_shared>>) dst(%dma_wait3A_32 : memref<632x128xf32, #tpu.memory_space<hbm>>)
      tpu.yield
    }) : () -> ()
    return
  }
}

module attributes {stable_mosaic.version = 14 : i64} {
  func.func @_pre_body(%arg0: i32, %arg1: memref<1000x128xf32, #tpu.memory_space<vmem>>, %arg2: memref<128x128xf32, #tpu.memory_space<vmem>>, %arg3: memref<2x1000x128xf32, #tpu.memory_space<vmem>>, %arg4: memref<1000x128xf32, #tpu.memory_space<vmem>>) attributes {dimension_semantics = [#tpu.dimension_semantics<arbitrary>], iteration_bounds = array<i64: 10>, scalar_prefetch = 0 : i64, scratch_operands = 0 : i64, tpu.core_type = #tpu.core_type<tc>, window_params = [{transform_indices = @transform_0, window_bounds = array<i64: 1000, 128>}, {pipeline_mode = #tpu.pipeline_mode<synchronous>, transform_indices = @transform_1, window_bounds = array<i64: 128, 128>}, {transform_indices = @transform_2, window_bounds = array<i64: 2, 1000, 128>}, {transform_indices = @transform_3, window_bounds = array<i64: 1000, 128>}]} {
    %get3A = arith.constant 0 : index
    %get3A_0 = arith.constant 0 : index
    %get3A_1 = arith.constant 0 : index
    %get3A_2 = vector.load %arg3[%get3A, %get3A_0, %get3A_1] : memref<2x1000x128xf32, #tpu.memory_space<vmem>>, vector<1x1000x128xf32>
    %get3A_3 = vector.shape_cast %get3A_2 : vector<1x1000x128xf32> to vector<1000x128xf32>
    %get3A_4 = arith.constant 1 : index
    %get3A_5 = arith.constant 0 : index
    %get3A_6 = arith.constant 0 : index
    %get3A_7 = vector.load %arg3[%get3A_4, %get3A_5, %get3A_6] : memref<2x1000x128xf32, #tpu.memory_space<vmem>>, vector<1x1000x128xf32>
    %get3A_8 = vector.shape_cast %get3A_7 : vector<1x1000x128xf32> to vector<1000x128xf32>
    %add3A = arith.addf %get3A_3, %get3A_8 : vector<1000x128xf32>
    %slice3A = vector.extract_strided_slice %add3A {offsets = [0, 0], sizes = [1000, 1], strides = [1, 1]} : vector<1000x128xf32> to vector<1000x1xf32>
    %add3A_9 = arith.constant 1.000000e+00 : f32
    %add3A_10 = vector.broadcast %add3A_9 : f32 to vector<1000x1xf32>
    %add3A_11 = arith.addf %slice3A, %add3A_10 : vector<1000x1xf32>
    %rsqrt3A = math.rsqrt %add3A_11 : vector<1000x1xf32>
    %get3A_12 = arith.constant 0 : index
    %get3A_13 = arith.constant 0 : index
    %get3A_14 = vector.load %arg1[%get3A_12, %get3A_13] : memref<1000x128xf32, #tpu.memory_space<vmem>>, vector<1000x128xf32>
    %get3A_15 = arith.constant 0 : index
    %get3A_16 = arith.constant 0 : index
    %get3A_17 = vector.load %arg2[%get3A_15, %get3A_16] : memref<128x128xf32, #tpu.memory_space<vmem>>, vector<128x128xf32>
    %dot_general3A = arith.constant dense<0.000000e+00> : vector<1000x128xf32>
    %dot_general3A_18 = tpu.matmul %get3A_14, %get3A_17, %dot_general3A {dimension_numbers = #tpu.dot_dimension_numbers<[1], [0], [0], [1], [0, 0, 1, 1], [], []>, transpose_lhs_hint = false} : vector<1000x128xf32>, vector<128x128xf32>, vector<1000x128xf32> -> vector<1000x128xf32>
    %mul3A = vector.broadcast %rsqrt3A : vector<1000x1xf32> to vector<1000x128xf32>
    %mul3A_19 = arith.mulf %dot_general3A_18, %mul3A : vector<1000x128xf32>
    %swap3A = arith.constant 0 : index
    %swap3A_20 = arith.constant 0 : index
    %swap3A_21 = vector.load %arg4[%swap3A, %swap3A_20] : memref<1000x128xf32, #tpu.memory_space<vmem>>, vector<1000x128xf32>
    tpu.vector_store %arg4[%swap3A, %swap3A_20], %mul3A_19 {strides = array<i32>} : memref<1000x128xf32, #tpu.memory_space<vmem>>, vector<1000x128xf32>,
    return
  }
  func.func @transform_0(%arg0: i32) -> (i32, i32) {
    %c0_i32 = arith.constant 0 : i32
    %c0_i32_0 = arith.constant 0 : i32
    return %arg0, %c0_i32 : i32, i32
  }
  func.func @transform_1(%arg0: i32) -> (i32, i32) {
    %c0_i32 = arith.constant 0 : i32
    %c0_i32_0 = arith.constant 0 : i32
    %c0_i32_1 = arith.constant 0 : i32
    return %c0_i32, %c0_i32_0 : i32, i32
  }
  func.func @transform_2(%arg0: i32) -> (i32, i32, i32) {
    %c0_i32 = arith.constant 0 : i32
    %c0_i32_0 = arith.constant 0 : i32
    %c0_i32_1 = arith.constant 0 : i32
    return %c0_i32, %arg0, %c0_i32_0 : i32, i32, i32
  }
  func.func @transform_3(%arg0: i32) -> (i32, i32) {
    %c0_i32 = arith.constant 0 : i32
    %c0_i32_0 = arith.constant 0 : i32
    return %arg0, %c0_i32 : i32, i32
  }
}

module attributes {stable_mosaic.version = 14 : i64} {
  func.func @_mid_body(%arg0: i32, %arg1: memref<2x1000x128xf32, #tpu.memory_space<vmem>>, %arg2: memref<1000x128xf32, #tpu.memory_space<vmem>>, %arg3: memref<2x1000x128xf32, #tpu.memory_space<vmem>>, %arg4: memref<1x128xf32, #tpu.memory_space<vmem>>, %arg5: memref<128x128xf32, #tpu.memory_space<vmem>>, %arg6: memref<1000x128xf32, #tpu.memory_space<vmem>>) attributes {dimension_semantics = [#tpu.dimension_semantics<arbitrary>], iteration_bounds = array<i64: 10>, scalar_prefetch = 0 : i64, scratch_operands = 0 : i64, tpu.core_type = #tpu.core_type<tc>, window_params = [{transform_indices = @transform_0, window_bounds = array<i64: 2, 1000, 128>}, {transform_indices = @transform_1, window_bounds = array<i64: 1000, 128>}, {transform_indices = @transform_2, window_bounds = array<i64: 2, 1000, 128>}, {pipeline_mode = #tpu.pipeline_mode<synchronous>, transform_indices = @transform_3, window_bounds = array<i64: 1, 128>}, {pipeline_mode = #tpu.pipeline_mode<synchronous>, transform_indices = @transform_4, window_bounds = array<i64: 128, 128>}, {transform_indices = @transform_5, window_bounds = array<i64: 1000, 128>}]} {
    %get3A = arith.constant 0 : index
    %get3A_0 = arith.constant 0 : index
    %get3A_1 = arith.constant 0 : index
    %get3A_2 = vector.load %arg3[%get3A, %get3A_0, %get3A_1] : memref<2x1000x128xf32, #tpu.memory_space<vmem>>, vector<1x1000x128xf32>
    %get3A_3 = vector.shape_cast %get3A_2 : vector<1x1000x128xf32> to vector<1000x128xf32>
    %get3A_4 = arith.constant 1 : index
    %get3A_5 = arith.constant 0 : index
    %get3A_6 = arith.constant 0 : index
    %get3A_7 = vector.load %arg3[%get3A_4, %get3A_5, %get3A_6] : memref<2x1000x128xf32, #tpu.memory_space<vmem>>, vector<1x1000x128xf32>
    %get3A_8 = vector.shape_cast %get3A_7 : vector<1x1000x128xf32> to vector<1000x128xf32>
    %add3A = arith.addf %get3A_3, %get3A_8 : vector<1000x128xf32>
    %slice3A = vector.extract_strided_slice %add3A {offsets = [0, 0], sizes = [1000, 1], strides = [1, 1]} : vector<1000x128xf32> to vector<1000x1xf32>
    %add3A_9 = arith.constant 1.000000e+00 : f32
    %add3A_10 = vector.broadcast %add3A_9 : f32 to vector<1000x1xf32>
    %add3A_11 = arith.addf %slice3A, %add3A_10 : vector<1000x1xf32>
    %rsqrt3A = math.rsqrt %add3A_11 : vector<1000x1xf32>
    %get3A_12 = arith.constant 0 : index
    %get3A_13 = arith.constant 0 : index
    %get3A_14 = arith.constant 0 : index
    %get3A_15 = vector.load %arg1[%get3A_12, %get3A_13, %get3A_14] : memref<2x1000x128xf32, #tpu.memory_space<vmem>>, vector<1x1000x128xf32>
    %get3A_16 = vector.shape_cast %get3A_15 : vector<1x1000x128xf32> to vector<1000x128xf32>
    %get3A_17 = arith.constant 1 : index
    %get3A_18 = arith.constant 0 : index
    %get3A_19 = arith.constant 0 : index
    %get3A_20 = vector.load %arg1[%get3A_17, %get3A_18, %get3A_19] : memref<2x1000x128xf32, #tpu.memory_space<vmem>>, vector<1x1000x128xf32>
    %get3A_21 = vector.shape_cast %get3A_20 : vector<1x1000x128xf32> to vector<1000x128xf32>
    %add3A_22 = arith.addf %get3A_16, %get3A_21 : vector<1000x128xf32>
    %get3A_23 = arith.constant 0 : index
    %get3A_24 = arith.constant 0 : index
    %get3A_25 = vector.load %arg2[%get3A_23, %get3A_24] : memref<1000x128xf32, #tpu.memory_space<vmem>>, vector<1000x128xf32>
    %add3A_26 = arith.addf %add3A_22, %get3A_25 : vector<1000x128xf32>
    %mul3A = vector.broadcast %rsqrt3A : vector<1000x1xf32> to vector<1000x128xf32>
    %mul3A_27 = arith.mulf %mul3A, %add3A_26 : vector<1000x128xf32>
    %get3A_28 = arith.constant 0 : index
    %get3A_29 = arith.constant 0 : index
    %get3A_30 = vector.load %arg4[%get3A_28, %get3A_29] : memref<1x128xf32, #tpu.memory_space<vmem>>, vector<1x128xf32>
    %add3A_31 = vector.broadcast %get3A_30 : vector<1x128xf32> to vector<1000x128xf32>
    %add3A_32 = arith.addf %mul3A_27, %add3A_31 : vector<1000x128xf32>
    %max3A = arith.constant 0.000000e+00 : f32
    %max3A_33 = vector.broadcast %max3A : f32 to vector<1000x128xf32>
    %max3A_34 = arith.maximumf %add3A_32, %max3A_33 : vector<1000x128xf32>
    %get3A_35 = arith.constant 0 : index
    %get3A_36 = arith.constant 0 : index
    %get3A_37 = vector.load %arg5[%get3A_35, %get3A_36] : memref<128x128xf32, #tpu.memory_space<vmem>>, vector<128x128xf32>
    %dot_general3A = arith.constant dense<0.000000e+00> : vector<1000x128xf32>
    %dot_general3A_38 = tpu.matmul %max3A_34, %get3A_37, %dot_general3A {dimension_numbers = #tpu.dot_dimension_numbers<[1], [0], [0], [1], [0, 0, 1, 1], [], []>, transpose_lhs_hint = false} : vector<1000x128xf32>, vector<128x128xf32>, vector<1000x128xf32> -> vector<1000x128xf32>
    %mul3A_39 = vector.broadcast %rsqrt3A : vector<1000x1xf32> to vector<1000x128xf32>
    %mul3A_40 = arith.mulf %dot_general3A_38, %mul3A_39 : vector<1000x128xf32>
    %swap3A = arith.constant 0 : index
    %swap3A_41 = arith.constant 0 : index
    %swap3A_42 = vector.load %arg6[%swap3A, %swap3A_41] : memref<1000x128xf32, #tpu.memory_space<vmem>>, vector<1000x128xf32>
    tpu.vector_store %arg6[%swap3A, %swap3A_41], %mul3A_40 {strides = array<i32>} : memref<1000x128xf32, #tpu.memory_space<vmem>>, vector<1000x128xf32>,
    return
  }
  func.func @transform_0(%arg0: i32) -> (i32, i32, i32) {
    %c0_i32 = arith.constant 0 : i32
    %c0_i32_0 = arith.constant 0 : i32
    %c0_i32_1 = arith.constant 0 : i32
    return %c0_i32, %arg0, %c0_i32_0 : i32, i32, i32
  }
  func.func @transform_1(%arg0: i32) -> (i32, i32) {
    %c0_i32 = arith.constant 0 : i32
    %c0_i32_0 = arith.constant 0 : i32
    return %arg0, %c0_i32 : i32, i32
  }
  func.func @transform_2(%arg0: i32) -> (i32, i32, i32) {
    %c0_i32 = arith.constant 0 : i32
    %c0_i32_0 = arith.constant 0 : i32
    %c0_i32_1 = arith.constant 0 : i32
    return %c0_i32, %arg0, %c0_i32_0 : i32, i32, i32
  }
  func.func @transform_3(%arg0: i32) -> (i32, i32) {
    %c0_i32 = arith.constant 0 : i32
    %c0_i32_0 = arith.constant 0 : i32
    %c0_i32_1 = arith.constant 0 : i32
    return %c0_i32, %c0_i32_0 : i32, i32
  }
  func.func @transform_4(%arg0: i32) -> (i32, i32) {
    %c0_i32 = arith.constant 0 : i32
    %c0_i32_0 = arith.constant 0 : i32
    %c0_i32_1 = arith.constant 0 : i32
    return %c0_i32, %c0_i32_0 : i32, i32
  }
  func.func @transform_5(%arg0: i32) -> (i32, i32) {
    %c0_i32 = arith.constant 0 : i32
    %c0_i32_0 = arith.constant 0 : i32
    return %arg0, %c0_i32 : i32, i32
  }
}

module attributes {stable_mosaic.version = 14 : i64} {
  func.func @_fin_body(%arg0: i32, %arg1: memref<2x1000x128xf32, #tpu.memory_space<vmem>>, %arg2: memref<1000x128xf32, #tpu.memory_space<vmem>>, %arg3: memref<2x1000x128xf32, #tpu.memory_space<vmem>>, %arg4: memref<1x128xf32, #tpu.memory_space<vmem>>, %arg5: memref<1000x64xf32, #tpu.memory_space<vmem>>) attributes {dimension_semantics = [#tpu.dimension_semantics<arbitrary>], iteration_bounds = array<i64: 10>, scalar_prefetch = 0 : i64, scratch_operands = 0 : i64, tpu.core_type = #tpu.core_type<tc>, window_params = [{transform_indices = @transform_0, window_bounds = array<i64: 2, 1000, 128>}, {transform_indices = @transform_1, window_bounds = array<i64: 1000, 128>}, {transform_indices = @transform_2, window_bounds = array<i64: 2, 1000, 128>}, {pipeline_mode = #tpu.pipeline_mode<synchronous>, transform_indices = @transform_3, window_bounds = array<i64: 1, 128>}, {transform_indices = @transform_4, window_bounds = array<i64: 1000, 64>}]} {
    %get3A = arith.constant 0 : index
    %get3A_0 = arith.constant 0 : index
    %get3A_1 = arith.constant 0 : index
    %get3A_2 = vector.load %arg3[%get3A, %get3A_0, %get3A_1] : memref<2x1000x128xf32, #tpu.memory_space<vmem>>, vector<1x1000x128xf32>
    %get3A_3 = vector.shape_cast %get3A_2 : vector<1x1000x128xf32> to vector<1000x128xf32>
    %get3A_4 = arith.constant 1 : index
    %get3A_5 = arith.constant 0 : index
    %get3A_6 = arith.constant 0 : index
    %get3A_7 = vector.load %arg3[%get3A_4, %get3A_5, %get3A_6] : memref<2x1000x128xf32, #tpu.memory_space<vmem>>, vector<1x1000x128xf32>
    %get3A_8 = vector.shape_cast %get3A_7 : vector<1x1000x128xf32> to vector<1000x128xf32>
    %add3A = arith.addf %get3A_3, %get3A_8 : vector<1000x128xf32>
    %slice3A = vector.extract_strided_slice %add3A {offsets = [0, 0], sizes = [1000, 1], strides = [1, 1]} : vector<1000x128xf32> to vector<1000x1xf32>
    %add3A_9 = arith.constant 1.000000e+00 : f32
    %add3A_10 = vector.broadcast %add3A_9 : f32 to vector<1000x1xf32>
    %add3A_11 = arith.addf %slice3A, %add3A_10 : vector<1000x1xf32>
    %rsqrt3A = math.rsqrt %add3A_11 : vector<1000x1xf32>
    %get3A_12 = arith.constant 0 : index
    %get3A_13 = arith.constant 0 : index
    %get3A_14 = arith.constant 0 : index
    %get3A_15 = vector.load %arg1[%get3A_12, %get3A_13, %get3A_14] : memref<2x1000x128xf32, #tpu.memory_space<vmem>>, vector<1x1000x128xf32>
    %get3A_16 = vector.shape_cast %get3A_15 : vector<1x1000x128xf32> to vector<1000x128xf32>
    %get3A_17 = arith.constant 1 : index
    %get3A_18 = arith.constant 0 : index
    %get3A_19 = arith.constant 0 : index
    %get3A_20 = vector.load %arg1[%get3A_17, %get3A_18, %get3A_19] : memref<2x1000x128xf32, #tpu.memory_space<vmem>>, vector<1x1000x128xf32>
    %get3A_21 = vector.shape_cast %get3A_20 : vector<1x1000x128xf32> to vector<1000x128xf32>
    %add3A_22 = arith.addf %get3A_16, %get3A_21 : vector<1000x128xf32>
    %get3A_23 = arith.constant 0 : index
    %get3A_24 = arith.constant 0 : index
    %get3A_25 = vector.load %arg2[%get3A_23, %get3A_24] : memref<1000x128xf32, #tpu.memory_space<vmem>>, vector<1000x128xf32>
    %add3A_26 = arith.addf %add3A_22, %get3A_25 : vector<1000x128xf32>
    %mul3A = vector.broadcast %rsqrt3A : vector<1000x1xf32> to vector<1000x128xf32>
    %mul3A_27 = arith.mulf %mul3A, %add3A_26 : vector<1000x128xf32>
    %get3A_28 = arith.constant 0 : index
    %get3A_29 = arith.constant 0 : index
    %get3A_30 = vector.load %arg4[%get3A_28, %get3A_29] : memref<1x128xf32, #tpu.memory_space<vmem>>, vector<1x128xf32>
    %add3A_31 = vector.broadcast %get3A_30 : vector<1x128xf32> to vector<1000x128xf32>
    %add3A_32 = arith.addf %mul3A_27, %add3A_31 : vector<1000x128xf32>
    %max3A = arith.constant 0.000000e+00 : f32
    %max3A_33 = vector.broadcast %max3A : f32 to vector<1000x128xf32>
    %max3A_34 = arith.maximumf %add3A_32, %max3A_33 : vector<1000x128xf32>
    %slice3A_35 = vector.extract_strided_slice %max3A_34 {offsets = [0, 0], sizes = [1000, 64], strides = [1, 1]} : vector<1000x128xf32> to vector<1000x64xf32>
    %swap3A = arith.constant 0 : index
    %swap3A_36 = arith.constant 0 : index
    %swap3A_37 = vector.load %arg5[%swap3A, %swap3A_36] : memref<1000x64xf32, #tpu.memory_space<vmem>>, vector<1000x64xf32>
    tpu.vector_store %arg5[%swap3A, %swap3A_36], %slice3A_35 {strides = array<i32>} : memref<1000x64xf32, #tpu.memory_space<vmem>>, vector<1000x64xf32>,
    return
  }
  func.func @transform_0(%arg0: i32) -> (i32, i32, i32) {
    %c0_i32 = arith.constant 0 : i32
    %c0_i32_0 = arith.constant 0 : i32
    %c0_i32_1 = arith.constant 0 : i32
    return %c0_i32, %arg0, %c0_i32_0 : i32, i32, i32
  }
  func.func @transform_1(%arg0: i32) -> (i32, i32) {
    %c0_i32 = arith.constant 0 : i32
    %c0_i32_0 = arith.constant 0 : i32
    return %arg0, %c0_i32 : i32, i32
  }
  func.func @transform_2(%arg0: i32) -> (i32, i32, i32) {
    %c0_i32 = arith.constant 0 : i32
    %c0_i32_0 = arith.constant 0 : i32
    %c0_i32_1 = arith.constant 0 : i32
    return %c0_i32, %arg0, %c0_i32_0 : i32, i32, i32
  }
  func.func @transform_3(%arg0: i32) -> (i32, i32) {
    %c0_i32 = arith.constant 0 : i32
    %c0_i32_0 = arith.constant 0 : i32
    %c0_i32_1 = arith.constant 0 : i32
    return %c0_i32, %c0_i32_0 : i32, i32
  }
  func.func @transform_4(%arg0: i32) -> (i32, i32) {
    %c0_i32 = arith.constant 0 : i32
    %c0_i32_0 = arith.constant 0 : i32
    return %arg0, %c0_i32 : i32, i32
  }
}

</mosaic_0001>

<sc_bundles>
// kernel: _run.11.cloned.1.call-start
scs
__scs_entry_jumppad:
0x0: {  	(pc) =	sbr.rel $0x88, $3  }
0x1: {  	(tag) =	ssettag $0x0;
	lr =	simm.s32 $0x1  }
0x2: {  	[smem:$0x3F9B] =	sst lr;
	_ =	strace $0xD0000000  }
0x3: {  	_ = 	snop  }
0x4: {  	_ = 	snop  }
0x5: {  	_ = 	snop  }
0x6: {  	_ = 	snop  }
0x7: {  	_ = 	snop  }
__scs_overlays_trampoline_lowered:
0x8: {  	[smem:$0x3FAA] =	sst s0  }
0x9: {  	[smem:$0x3FAB] =	sst s1  }
0xa: {  	[smem:$0x3FAC] =	sst s2  }
0xb: {  	[smem:$0x3FAD] =	sst s3  }
0xc: {  	[smem:$0x3FAE] =	sst s4  }
0xd: {  	[smem:$0x3FAF] =	sst s5  }
0xe: {  	[smem:$0x3FB0] =	sst s6  }
0xf: {  	[smem:$0x3FB1] =	sst s7  }
0x10: {  	[smem:$0x3FB2] =	sst s8  }
0x11: {  	[smem:$0x3FB3] =	sst s9;
	s0 =	simm.s32 @!p0 $0x0  }
0x12: {  	s1 =	sld [smem:$0x3F99];
	s0 =	simm.s32 @p0 $0x1  }
0x13: {  	[smem:$0x3FB4] =	sst s0;
	s0 =	simm.s32 @!p1 $0x0  }
0x14: {  	s2 =	sld [smem:$0x3F98];
	s0 =	simm.s32 @p1 $0x1  }
0x15: {  	[smem:$0x3FB5] =	sst s0;
	s0 =	simm.s32 @!p2 $0x0  }
0x16: {  	s3 =	sld [smem:$0x3FDB];
	s0 =	simm.s32 @p2 $0x1  }
0x17: {  	s4 =	simm.s32 $0x1BF5;
	[smem:$0x3FB7] =	sst s0  }
0x18: {  	s0 =	sld [smem:$0x3F9A];
	_ =	swait.ge [sflag:s4], $0x0  }
0x19: {  	s7 =	sld [smem:$0x3F9B]  }
0x1a: {  	s8 =	sadd.s32 $0xFFFFE003, lr  }
0x1b: {  	s9 =	sadd.s32 $0xFFFFFEF7, lr;
	s5 =	simm.s32 $0xFFFFFFFF;
	p2 =	slt.u32 s8, $0xFFFFF086  }
0x1c: {  	p1 =	slt.u32 s9, $0xF7A;
	s5 =	simm.s32 @!p2 $0x0  }
0x1d: {  	s5 =	simm.s32 @p1 $0x1;
	p0 =	seq.s32 s7, s2  }
0x1e: {  	s7 =	smul.u32 @!p0 $0xF7A, s2;
	p2 =	seq.s32 @!p0 s5, $0x0  }
0x1f: {  	s9 =	smul.u32 $0xF7A, s1;
	s8 =	simm.s32 @!p0 $0x1BF5;
	p2 =	por !p2, p0  }
0x20: {  	[sflag:s8] =	ssyncset.s32 @!p0 $0xFFFFF086;
	s6 =	sadd.s32 @!p0 s3, s7;
	s7 =	simm.s32 @!p0 $0x108  }
0x21: {  	s3 =	sadd.s32 s3, s9;
	s6 =	sadd.s32 @!p0 $0x88, s6;
	s7 =	simm.s32 @p2 $0x1082  }
0x22: {  	[simem:s7], [sflag:s8] =	dma.local @!p0 [hbm:s6], $0xF7A  }
0x23: {  	s9 =	sor.u32 $0xD0000000, s2;
	s6 =	simm.s32 $0x108;
	_ =	swait.ge @!p0 [sflag:s8], $0x0  }
0x24: {  	s3 =	sadd.s32 $0x88, s3;
	s6 =	simm.s32 @!p1 $0x1082;
	[sflag:s4] =	ssyncset.s32 $0xFFFFF086  }
0x25: {  	[simem:s6], [sflag:s4] =	dma.local [hbm:s3], $0xF7A  }
0x26: {  	[smem:$0x3F9B] =	sst s1;
	(tag) =	ssettag s2;
	_ =	strace s9  }
0x27: {  	s1 =	sld [smem:$0x3FAB]  }
0x28: {  	s2 =	sld [smem:$0x3FAC]  }
0x29: {  	s4 =	sld [smem:$0x3FAE]  }
0x2a: {  	p0 =	seq.s32 s5, $0x0;
	s5 =	sld [smem:$0x3FAF]  }
0x2b: {  	s6 =	sld [smem:$0x3FB0]  }
0x2c: {  	s7 =	sld [smem:$0x3FB1]  }
0x2d: {  	s3 =	simm.s32 $0x108;
	s8 =	sld [smem:$0x3FB2]  }
0x2e: {  	s3 =	simm.s32 @!p0 $0x1082;
	s9 =	sld [smem:$0x3FB3]  }
0x2f: {  	lr =	sadd.s32 s0, s3;
	s0 =	sld [smem:$0x3FAA]  }
0x30: {  	s3 =	sld [smem:$0x3FAD]  }
0x31: {  	[smem:$0x3FB6] =	sst s10  }
0x32: {  	s10 =	sld [smem:$0x3FB4];
	_ =	sdelay $0x3  }
0x33: {  	p0 =	seq.s32 s10, $0x1;
	s10 =	sld [smem:$0x3FB6];
	_ =	sdelay $0x3  }
0x34: {  	[smem:$0x3FB6] =	sst s10  }
0x35: {  	s10 =	sld [smem:$0x3FB5];
	_ =	sdelay $0x3  }
0x36: {  	p1 =	seq.s32 s10, $0x1;
	s10 =	sld [smem:$0x3FB6];
	_ =	sdelay $0x3  }
0x37: {  	[smem:$0x3FB6] =	sst s10  }
0x38: {  	s10 =	sld [smem:$0x3FB7]  }
0x39: {  	_ = 	snop;
	(pc) =	sbr.ind lr, $3  }
0x3a: {  	_ = 	snop  }
0x3b: {  	_ = 	snop  }
0x3c: {  	p2 =	seq.s32 s10, $0x1;
	s10 =	sld [smem:$0x3FB6]  }
0x3d: {  	_ =	shalt  }
0x3e: {  	_ =	shalt  }
0x3f: {  	_ =	shalt  }
0x40: {  	_ =	shalt  }
0x41: {  	_ =	shalt  }
0x42: {  	_ =	shalt  }
0x43: {  	_ =	shalt  }
0x44: {  	_ =	shalt  }
0x45: {  	_ =	shalt  }
0x46: {  	_ =	shalt  }
0x47: {  	_ =	shalt  }
0x48: {  	_ =	shalt  }
0x49: {  	_ =	shalt  }
0x4a: {  	_ =	shalt  }
0x4b: {  	_ =	shalt  }
0x4c: {  	_ =	shalt  }
0x4d: {  	_ =	shalt  }
0x4e: {  	_ =	shalt  }
0x4f: {  	_ =	shalt  }
0x50: {  	_ =	shalt  }
0x51: {  	_ =	shalt  }
0x52: {  	_ =	shalt  }
0x53: {  	_ =	shalt  }
0x54: {  	_ =	shalt  }
0x55: {  	_ =	shalt  }
0x56: {  	_ =	shalt  }
0x57: {  	_ =	shalt  }
0x58: {  	_ =	shalt  }
0x59: {  	_ =	shalt  }
0x5a: {  	_ =	shalt  }
0x5b: {  	_ =	shalt  }
0x5c: {  	_ =	shalt  }
0x5d: {  	_ =	shalt  }
0x5e: {  	_ =	shalt  }
0x5f: {  	_ =	shalt  }
0x60: {  	_ =	shalt  }
0x61: {  	_ =	shalt  }
0x62: {  	_ =	shalt  }
0x63: {  	_ =	shalt  }
0x64: {  	_ =	shalt  }
0x65: {  	_ =	shalt  }
0x66: {  	_ =	shalt  }
0x67: {  	_ =	shalt  }
0x68: {  	_ =	shalt  }
0x69: {  	_ =	shalt  }
0x6a: {  	_ =	shalt  }
0x6b: {  	_ =	shalt  }
0x6c: {  	_ =	shalt  }
0x6d: {  	_ =	shalt  }
0x6e: {  	_ =	shalt  }
0x6f: {  	_ =	shalt  }
0x70: {  	_ =	shalt  }
0x71: {  	_ =	shalt  }
0x72: {  	_ =	shalt  }
0x73: {  	_ =	shalt  }
0x74: {  	_ =	shalt  }
0x75: {  	_ =	shalt  }
0x76: {  	_ =	shalt  }
0x77: {  	_ =	shalt  }
0x78: {  	_ =	shalt  }
0x79: {  	_ =	shalt  }
0x7a: {  	_ =	shalt  }
0x7b: {  	_ =	shalt  }
0x7c: {  	_ =	shalt  }
0x7d: {  	_ =	shalt  }
0x7e: {  	_ =	shalt  }
0x7f: {  	_ =	shalt  }
0x80: {  	_ =	shalt  }
0x81: {  	_ =	shalt  }
0x82: {  	_ =	shalt  }
0x83: {  	_ =	shalt  }
0x84: {  	_ =	shalt  }
0x85: {  	_ =	shalt  }
0x86: {  	_ =	shalt  }
0x87: {  	_ =	shalt  }
.Lfunc_end0:
.L_simem_size_0:
called_computation.1_lowered:
.L_overlay_start_0:
0x88: {  	s2 =	sld [smem:$0x3FD9]  }
0x89: {  	s3 =	sld [smem:$0x3FFE];
	_ =	sdelay $0x1  }
0x8a: {  	s1 =	srdreg.scid  }
0x8b: {  	s0 =	sand.u32 $0x1, s1  }
0x8c: {  	s17 =	sshll.u32 s0, $0xA;
	s2 =	sadd.s32 s3, s2  }
0x8d: {  	s2 =	sadd.s32 s2, s17  }
0x8e: {  	[smem:$0x3FC2] =	sst s2  }
0x8f: {  	_ = 	snop  }
0x90: {  	s2 =	sld [smem:$0x3FD0];
	(tm) =	ssettm $0x1  }
0x91: {  	s18 =	sld [smem:$0x3FFB];
	_ =	sdelay $0x3  }
0x92: {  	_ =	strace s18  }
0x93: {  	s3 =	sld [smem:$0x3FFC];
	_ =	sdelay $0x3  }
0x94: {  	_ =	strace s3  }
0x95: {  	s3 =	sld [smem:$0x3FFD];
	_ =	sdelay $0x3  }
0x96: {  	_ =	strace s3  }
0x97: {  	_ =	strace $0x8FFFFFFF  }
0x98: {  	s19 =	sld [smem:$0x3FDB];
	_ =	sdelay $0x1  }
0x99: {  	s4 =	simm.s32 $_scs_section_size  }
0x9a: {  	s5 =	simm.s32 $_size__tile_overlayer_lowered;
	s6 =	simm.s32 $_tile_overlayer_lowered  }
0x9b: {  	s22 =	simm.s32 $0x1BFF;
	s21 =	sshll.u32 s6, $0x1;
	s3 =	sadd.s32 s4, s19  }
0x9c: {  	s7 =	simm.s32 $0x0;
	s20 =	sshll.u32 s5, $0x1;
	s5 =	sadd.s32 s21, s3  }
0x9d: {  	[timem:s7], [sflag:s22] =	dma.local [hbm:s5], s20  }
0x9e: {  	_ =	swait.ge [sflag:s22], s20  }
0x9f: {  	s4 =	ssub.s32 $0x0, s20;
	[sflag:s22] =	ssyncset.done $0x0  }
0xa0: {  	[sflag:s22] =	ssyncadd.s32 s4;
	_ =	sdelay $0x1  }
0xa1: {  	s23 =	simm.s32 $0x1B8B  }
0xa2: {  	_ =	swait.ge [sflag:s23], $0x1  }
0xa3: {  	[sflag:s23] =	ssyncset.done $0x0  }
0xa4: {  	s25 =	simm.s32 $0x1B8E;
	s24 =	sld [smem:$0x3FFE];
	[sflag:s23] =	ssyncadd.s32 $0xFFFFFFFF  }
0xa5: {  	s26 =	simm.s32 $execute0_lowered;
	[smem:$0x3FD2] =	sst s25  }
0xa6: {  	s5 =	sshll.u32 s26, $0x1;
	_ =	strace $0x80000049;
	[dreg:$0x1] =	wrdreg $0xFFFFFFFF  }
0xa7: {  	s28 =	simm.s32 $_size_execute0_lowered;
	s3 =	sadd.s32 s3, s5;
	[dreg:$0x0] =	wrdreg $0x0  }
0xa8: {  	s5 =	sshll.u32 s28, $0x1;
	[dreg:$0x2] =	wrdreg s3  }
0xa9: {  	[dreg:$0x3] =	wrdreg s5  }
0xaa: {  	[dreg:$0x4] =	wrdreg $0xC0  }
0xab: {  	_ =	task [dreg:s7], $0x5FFFF  }
0xac: {  	[dreg:$0x1] =	wrdreg $0xFFFFFFFF  }
0xad: {  	[dreg:$0x0] =	wrdreg $0x60  }
0xae: {  	[dreg:$0x2] =	wrdreg s24  }
0xaf: {  	[dreg:$0x3] =	wrdreg s2  }
0xb0: {  	[dreg:$0x4] =	wrdreg $0xC0000  }
0xb1: {  	[dreg:$0x5] =	wrdreg $0x9  }
0xb2: {  	_ =	task.clear_ibuf [dreg:s7], $0x6FFFF;
	_ =	strace $0x90000049  }
0xb3: {  	s29 =	simm.s32 $0x9;
	_ =	strace $0x8000004B  }
0xb4: {  	_ =	swait.ge [sflag:s29], $0x1  }
0xb5: {  	[sflag:s29] =	ssyncadd.s32 $0xFFFFFFFF  }
0xb6: {  	_ =	strace $0x9000004B  }
0xb7: {  	_ =	sfence  }
0xb8: {  	s30 =	sld [smem:$0x0];
	_ =	sdelay $0x2  }
0xb9: {  	s31 =	sshll.u32 s1, $0xD;
	s1 =	sshrl.u32 s1, $0x2  }
0xba: {  	s3 =	sand.u32 $0x4000, s31;
	s1 =	sadd.s32 s1, s30  }
0xbb: {  	s0 =	sor.u32 s3, s0;
	s1 =	sshll.u32 s1, $0x11  }
0xbc: {  	s0 =	sor.u32 s1, s0  }
0xbd: {  	s0 =	sadd.s32 $0x8F2B, s0  }
0xbe: {  	[sflag:s0] =	ssyncadd.remote.s32 $0x1  }
0xbf: {  	_ =	sfence.sel $0xFFFF  }
0xc0: {  	[dreg:$0x0] =	wrdreg $0xFFFFFFFF;
	(pc) =	sbr.abs _section_cstart, $3  }
0xc1: {  	[dreg:$0x1] =	wrdreg $0xFFFFFFFF  }
0xc2: {  	_ =	task.clear_ibuf [dreg:s7], $0x2FFFF;
	_ =	strace $0x9FFFFFFF  }
0xc3: {  	(tm) =	ssettm $0x7FFFFFFF  }
tec
execute0_lowered:
.L_overlay_start_1:
0x0: {  	(tag) =	ssettag $0x1  }
0x1: {  	s5 =	rddreg [dreg:$0x0]  }
0x2: {  	s7 =	rddreg [dreg:$0x1]  }
0x3: {  	s1 =	rddreg [dreg:$0x2]  }
0x4: {  	s0 =	rddreg [dreg:$0x3];
	s3 =	simm.s32 $0x0;
	s4 =	srdreg.scid  }
0x5: {  	s2 =	stileid.u32;
	s15 =	simm.s32 $0x8000;
	s16 =	simm.s32 $0x1  }
0x6: {  	s17 =	simm.s32 $0x0;
	[smem:$0x7FF] =	sst s3;
	s6 =	sand.u32 $0x1, s4  }
0x7: {  	s24 =	sshll.u32 s2, $0x9;
	s8 =	smul.u32 $0x13C00, s2;
	s9 =	sshll.u32 s2, $0xB  }
0x8: {  	s4 =	sadd.s32 $0x83A00, s5;
	s29 =	smul.u32 $0x4F000, s2;
	s31 =	sshll.u32 s2, $0x6  }
0x9: {  	p0 =	seq.s32 s6, $0x0;
	s10 =	sor.u32 $0x8000, s24;
	s11 =	smul.u32 $0x13C000, s6  }
0xa: {  	_ =	strace $0x8000004A;
	s6 =	ssub.s32 $0x2, s6;
	s10 =	smov.u32 @p0 s9  }
0xb: {  	s12 =	sshrl.u32 s8, $0x3;
	s28 =	sshrl.u32 s6, $0x1;
	s30 =	sshrl.u32 s29, $0x2  }
0xc: {  	s9 =	sadd.s32 s10, s5;
	s8 =	sadd.s32 s8, s11;
	s25 =	sadd.s32 s12, s5  }
0xd: {  	s13 =	ssub.s32 s6, s28;
	s6 =	simm.s32 $0x80;
	s7 =	sadd.s32 s7, s10  }
0xe: {  	s14 =	sadd.s32 s30, s1;
	s12 =	simm.s32 $0x2;
	s8 =	sshrl.u32 s8, $0x3  }
0xf: {  	s6 =	simm.s32 @!p0 $0x20;
	s11 =	smax.u32 s13, $0x1;
	s13 =	sor.u32 $0x1C02, s31  }
0x10: {  	s14 =	sshrl.u32 s14, $0x3;
	s26 =	sadd.s32 s8, s5;
	s5 =	simm.s32 $0x80  }
0x11: {  	s8 =	sadd.s32 $0x2A00, s9;
	s9 =	sadd.s32 $0xCA00, s25;
	s10 =	sadd.s32 $0xAAC00, s26  }
.LBB2_1:
0x12: {  	[tilespmem:s3], [sflag:$0x2] =	stream.linear.gather [hbm4b:s7+s3], $0x4000, $0x38;
	[tilespmem:$0x1FC00] =	vst v63  }
0x13: {  	_ =	swait.ge [sflag:s12], $0x4000  }
0x14: {  	[sflag:s12] =	ssyncset.done $0x0  }
0x15: {  	s18 =	simm.s32 $0x4000;
	[sflag:s12] =	ssyncadd.s32 $0xFFFFC000  }
0x16: {  	[tilespmem:s18], [sflag:$0x2] =	stream.linear.gather [hbm4b:s8+s3], $0x4000, $0x38;
	[tilespmem:$0x1FC00] =	vst v63  }
0x17: {  	_ =	swait.ge [sflag:s12], $0x4000  }
0x18: {  	[sflag:s12] =	ssyncset.done $0x0  }
0x19: {  	[sflag:s12] =	ssyncadd.s32 $0xFFFFC000  }
0x1a: {  	[spmem:s14], [sflag:s13] =	dma.local [hbm:s9], $0x2780  }
0x1b: {  	_ =	swait.ge [sflag:s12], $0x2780  }
0x1c: {  	[sflag:s12] =	ssyncset.done $0x0  }
0x1d: {  	[sflag:s12] =	ssyncadd.s32 $0xFFFFD880  }
0x1e: {  	[bflag:$0x0] =	sbarrier.arrive $0xFFFF  }
0x1f: {  	[tilespmem:s15], [sflag:$0x1] =	stream.indirect.gather [hbm4b:s4+s5], $0x80, s3, s5, $0xb8;
	[tilespmem:$0x1FC00] =	vst v63  }
0x20: {  	p0 =	sne.s32 s6, $0x1;
	_ =	swait.ge [sflag:s16], $0x4000  }
.Ltmp0:
0x21: {  	[sflag:s16] =	ssyncset.done $0x0;
	(pc) =	sbr.rel @!p0 .LBB2_3-.Ltmp0, $4  }
0x22: {  	[sflag:s16] =	ssyncadd.s32 $0xFFFFC000  }
0x23: {  	[spmem:s1] =	stream.indirect.scatter.add.f32 [tilespmem:s15], [sflag:$0x2], $0x80, s18, s5, $0xb8;
	[tilespmem:$0x1FC00] =	vst v63  }
0x24: {  	_ =	swait.ge [sflag:s12], $0x4000  }
0x25: {  	s19 =	sadd.s32 $0xFFFFFFFF, s6;
	s20 =	simm.s32 $0x0;
	[sflag:s12] =	ssyncset.done $0x0  }
.LBB2_2:
0x26: {  	[sflag:s12] =	ssyncadd.s32 $0xFFFFC000;
	s20 =	sadd.s32 $0x80, s20;
	s18 =	sadd.s32 $0x80, s18  }
0x27: {  	[tilespmem:s15], [sflag:$0x1] =	stream.indirect.gather [hbm4b:s4+s5], $0x80, s20, s5, $0xb8;
	[tilespmem:$0x1FC00] =	vst v63  }
0x28: {  	p0 =	sne.s32 s19, $0x1;
	s19 =	sadd.s32 $0xFFFFFFFF, s19;
	_ =	swait.ge [sflag:s16], $0x4000  }
.Ltmp1:
0x29: {  	[sflag:s16] =	ssyncset.done $0x0;
	(pc) =	sbr.rel @p0 .LBB2_2-.Ltmp1, $4  }
0x2a: {  	[sflag:s16] =	ssyncadd.s32 $0xFFFFC000  }
0x2b: {  	[spmem:s1] =	stream.indirect.scatter.add.f32 [tilespmem:s15], [sflag:$0x2], $0x80, s18, s5, $0xb8;
	[tilespmem:$0x1FC00] =	vst v63  }
0x2c: {  	_ =	swait.ge [sflag:s12], $0x4000  }
0x2d: {  	[sflag:s12] =	ssyncset.done $0x0  }
.LBB2_3:
0x2e: {  	s17 =	sadd.s32 $0x1, s17  }
0x2f: {  	[sflag:s12] =	ssyncadd.s32 $0xFFFFC000;
	p0 =	sne.s32 s17, s11  }
.Ltmp2:
0x30: {  	[bflag:$0x0] =	sbarrier.arrive $0xFFFF;
	(pc) =	sbr.rel @p0 .LBB2_1-.Ltmp2, $4  }
0x31: {  	[hbm:s10], [sflag:s13] =	dma.local [spmem:s14], $0x2780  }
0x32: {  	_ =	swait.ge [sflag:s12], $0x2780  }
0x33: {  	[sflag:s12] =	ssyncset.done $0x0  }
0x34: {  	[sflag:s12] =	ssyncadd.s32 $0xFFFFD880  }
0x35: {  	_ =	sfence.sel $0x180000  }
0x36: {  	[bflag:$0x0] =	sbarrier.arrive $0xFFFF  }
0x37: {  	p0 =	sne.s32 s2, $0x0;
	_ =	strace $0x9000004A  }
0x38: {  	s0 =	sadd.s32 @!p0 $0x100000, s0;
	[bflag:$0x2] =	sbarrier.arrive $0xFFFF  }
0x39: {  	[sflag:s0] =	ssyncadd.tile.s32 @!p0 $0x1;
	_ =	shalt  }
.Lfunc_end2:
_tile_overlayer_lowered:
.L_overlay_start_2:
0x3a: {  	(tag) =	ssettag $0x2  }
0x3b: {  	s0 =	rddreg [dreg:$0x0];
	s2 =	stileid.u32  }
0x3c: {  	s1 =	rddreg [dreg:$0x1];
	p0 =	sne.s32 s2, $0x0  }
0x3d: {  	s3 =	rddreg [dreg:$0x2];
	[bflag:$0x3] =	sbarrier.arrive $0xFFFF;
	s2 =	simm.s32 @!p0 $0x1C02  }
0x3e: {  	[timem:s3], [sflag:s2] =	dma.local @!p0 [hbm:s0], s1  }
0x3f: {  	s0 =	simm.s32 @!p0 $0x2  }
0x40: {  	_ =	swait.ge @!p0 [sflag:s0], s1  }
0x41: {  	s1 =	ssub.s32 @!p0 $0x0, s1;
	[sflag:s0] =	ssyncset.done @!p0 $0x0  }
0x42: {  	[sflag:s0] =	ssyncadd.s32 @!p0 s1  }
0x43: {  	[bflag:$0x3] =	sbarrier.arrive $0xFFFF  }
0x44: {  	_ =	shalt  }

// kernel: _run.14.cloned.1.call-start
scs
__scs_entry_jumppad:
0x0: {  	(pc) =	sbr.rel $0x88, $3  }
0x1: {  	(tag) =	ssettag $0x0;
	lr =	simm.s32 $0x1  }
0x2: {  	[smem:$0x3F9B] =	sst lr;
	_ =	strace $0xD0000000  }
0x3: {  	_ = 	snop  }
0x4: {  	_ = 	snop  }
0x5: {  	_ = 	snop  }
0x6: {  	_ = 	snop  }
0x7: {  	_ = 	snop  }
__scs_overlays_trampoline_lowered:
0x8: {  	[smem:$0x3FAA] =	sst s0  }
0x9: {  	[smem:$0x3FAB] =	sst s1  }
0xa: {  	[smem:$0x3FAC] =	sst s2  }
0xb: {  	[smem:$0x3FAD] =	sst s3  }
0xc: {  	[smem:$0x3FAE] =	sst s4  }
0xd: {  	[smem:$0x3FAF] =	sst s5  }
0xe: {  	[smem:$0x3FB0] =	sst s6  }
0xf: {  	[smem:$0x3FB1] =	sst s7  }
0x10: {  	[smem:$0x3FB2] =	sst s8  }
0x11: {  	[smem:$0x3FB3] =	sst s9;
	s0 =	simm.s32 @!p0 $0x0  }
0x12: {  	s1 =	sld [smem:$0x3F99];
	s0 =	simm.s32 @p0 $0x1  }
0x13: {  	[smem:$0x3FB4] =	sst s0;
	s0 =	simm.s32 @!p1 $0x0  }
0x14: {  	s2 =	sld [smem:$0x3F98];
	s0 =	simm.s32 @p1 $0x1  }
0x15: {  	[smem:$0x3FB5] =	sst s0;
	s0 =	simm.s32 @!p2 $0x0  }
0x16: {  	s3 =	sld [smem:$0x3FDB];
	s0 =	simm.s32 @p2 $0x1  }
0x17: {  	s4 =	simm.s32 $0x1BF5;
	[smem:$0x3FB7] =	sst s0  }
0x18: {  	s0 =	sld [smem:$0x3F9A];
	_ =	swait.ge [sflag:s4], $0x0  }
0x19: {  	s7 =	sld [smem:$0x3F9B]  }
0x1a: {  	s8 =	sadd.s32 $0xFFFFE003, lr  }
0x1b: {  	s9 =	sadd.s32 $0xFFFFFEF7, lr;
	s5 =	simm.s32 $0xFFFFFFFF;
	p2 =	slt.u32 s8, $0xFFFFF086  }
0x1c: {  	p1 =	slt.u32 s9, $0xF7A;
	s5 =	simm.s32 @!p2 $0x0  }
0x1d: {  	s5 =	simm.s32 @p1 $0x1;
	p0 =	seq.s32 s7, s2  }
0x1e: {  	s7 =	smul.u32 @!p0 $0xF7A, s2;
	p2 =	seq.s32 @!p0 s5, $0x0  }
0x1f: {  	s9 =	smul.u32 $0xF7A, s1;
	s8 =	simm.s32 @!p0 $0x1BF5;
	p2 =	por !p2, p0  }
0x20: {  	[sflag:s8] =	ssyncset.s32 @!p0 $0xFFFFF086;
	s6 =	sadd.s32 @!p0 s3, s7;
	s7 =	simm.s32 @!p0 $0x108  }
0x21: {  	s3 =	sadd.s32 s3, s9;
	s6 =	sadd.s32 @!p0 $0x88, s6;
	s7 =	simm.s32 @p2 $0x1082  }
0x22: {  	[simem:s7], [sflag:s8] =	dma.local @!p0 [hbm:s6], $0xF7A  }
0x23: {  	s9 =	sor.u32 $0xD0000000, s2;
	s6 =	simm.s32 $0x108;
	_ =	swait.ge @!p0 [sflag:s8], $0x0  }
0x24: {  	s3 =	sadd.s32 $0x88, s3;
	s6 =	simm.s32 @!p1 $0x1082;
	[sflag:s4] =	ssyncset.s32 $0xFFFFF086  }
0x25: {  	[simem:s6], [sflag:s4] =	dma.local [hbm:s3], $0xF7A  }
0x26: {  	[smem:$0x3F9B] =	sst s1;
	(tag) =	ssettag s2;
	_ =	strace s9  }
0x27: {  	s1 =	sld [smem:$0x3FAB]  }
0x28: {  	s2 =	sld [smem:$0x3FAC]  }
0x29: {  	s4 =	sld [smem:$0x3FAE]  }
0x2a: {  	p0 =	seq.s32 s5, $0x0;
	s5 =	sld [smem:$0x3FAF]  }
0x2b: {  	s6 =	sld [smem:$0x3FB0]  }
0x2c: {  	s7 =	sld [smem:$0x3FB1]  }
0x2d: {  	s3 =	simm.s32 $0x108;
	s8 =	sld [smem:$0x3FB2]  }
0x2e: {  	s3 =	simm.s32 @!p0 $0x1082;
	s9 =	sld [smem:$0x3FB3]  }
0x2f: {  	lr =	sadd.s32 s0, s3;
	s0 =	sld [smem:$0x3FAA]  }
0x30: {  	s3 =	sld [smem:$0x3FAD]  }
0x31: {  	[smem:$0x3FB6] =	sst s10  }
0x32: {  	s10 =	sld [smem:$0x3FB4];
	_ =	sdelay $0x3  }
0x33: {  	p0 =	seq.s32 s10, $0x1;
	s10 =	sld [smem:$0x3FB6];
	_ =	sdelay $0x3  }
0x34: {  	[smem:$0x3FB6] =	sst s10  }
0x35: {  	s10 =	sld [smem:$0x3FB5];
	_ =	sdelay $0x3  }
0x36: {  	p1 =	seq.s32 s10, $0x1;
	s10 =	sld [smem:$0x3FB6];
	_ =	sdelay $0x3  }
0x37: {  	[smem:$0x3FB6] =	sst s10  }
0x38: {  	s10 =	sld [smem:$0x3FB7]  }
0x39: {  	_ = 	snop;
	(pc) =	sbr.ind lr, $3  }
0x3a: {  	_ = 	snop  }
0x3b: {  	_ = 	snop  }
0x3c: {  	p2 =	seq.s32 s10, $0x1;
	s10 =	sld [smem:$0x3FB6]  }
0x3d: {  	_ =	shalt  }
0x3e: {  	_ =	shalt  }
0x3f: {  	_ =	shalt  }
0x40: {  	_ =	shalt  }
0x41: {  	_ =	shalt  }
0x42: {  	_ =	shalt  }
0x43: {  	_ =	shalt  }
0x44: {  	_ =	shalt  }
0x45: {  	_ =	shalt  }
0x46: {  	_ =	shalt  }
0x47: {  	_ =	shalt  }
0x48: {  	_ =	shalt  }
0x49: {  	_ =	shalt  }
0x4a: {  	_ =	shalt  }
0x4b: {  	_ =	shalt  }
0x4c: {  	_ =	shalt  }
0x4d: {  	_ =	shalt  }
0x4e: {  	_ =	shalt  }
0x4f: {  	_ =	shalt  }
0x50: {  	_ =	shalt  }
0x51: {  	_ =	shalt  }
0x52: {  	_ =	shalt  }
0x53: {  	_ =	shalt  }
0x54: {  	_ =	shalt  }
0x55: {  	_ =	shalt  }
0x56: {  	_ =	shalt  }
0x57: {  	_ =	shalt  }
0x58: {  	_ =	shalt  }
0x59: {  	_ =	shalt  }
0x5a: {  	_ =	shalt  }
0x5b: {  	_ =	shalt  }
0x5c: {  	_ =	shalt  }
0x5d: {  	_ =	shalt  }
0x5e: {  	_ =	shalt  }
0x5f: {  	_ =	shalt  }
0x60: {  	_ =	shalt  }
0x61: {  	_ =	shalt  }
0x62: {  	_ =	shalt  }
0x63: {  	_ =	shalt  }
0x64: {  	_ =	shalt  }
0x65: {  	_ =	shalt  }
0x66: {  	_ =	shalt  }
0x67: {  	_ =	shalt  }
0x68: {  	_ =	shalt  }
0x69: {  	_ =	shalt  }
0x6a: {  	_ =	shalt  }
0x6b: {  	_ =	shalt  }
0x6c: {  	_ =	shalt  }
0x6d: {  	_ =	shalt  }
0x6e: {  	_ =	shalt  }
0x6f: {  	_ =	shalt  }
0x70: {  	_ =	shalt  }
0x71: {  	_ =	shalt  }
0x72: {  	_ =	shalt  }
0x73: {  	_ =	shalt  }
0x74: {  	_ =	shalt  }
0x75: {  	_ =	shalt  }
0x76: {  	_ =	shalt  }
0x77: {  	_ =	shalt  }
0x78: {  	_ =	shalt  }
0x79: {  	_ =	shalt  }
0x7a: {  	_ =	shalt  }
0x7b: {  	_ =	shalt  }
0x7c: {  	_ =	shalt  }
0x7d: {  	_ =	shalt  }
0x7e: {  	_ =	shalt  }
0x7f: {  	_ =	shalt  }
0x80: {  	_ =	shalt  }
0x81: {  	_ =	shalt  }
0x82: {  	_ =	shalt  }
0x83: {  	_ =	shalt  }
0x84: {  	_ =	shalt  }
0x85: {  	_ =	shalt  }
0x86: {  	_ =	shalt  }
0x87: {  	_ =	shalt  }
.Lfunc_end0:
.L_simem_size_0:
called_computation.2_lowered:
.L_overlay_start_0:
0x88: {  	s2 =	sld [smem:$0x3FD9]  }
0x89: {  	s3 =	sld [smem:$0x3FFE];
	_ =	sdelay $0x1  }
0x8a: {  	s1 =	srdreg.scid  }
0x8b: {  	s0 =	sand.u32 $0x1, s1  }
0x8c: {  	s17 =	sshll.u32 s0, $0xA;
	s2 =	sadd.s32 s3, s2  }
0x8d: {  	s2 =	sadd.s32 s2, s17  }
0x8e: {  	[smem:$0x3FC2] =	sst s2  }
0x8f: {  	_ = 	snop  }
0x90: {  	s2 =	sld [smem:$0x3FD0];
	(tm) =	ssettm $0x1  }
0x91: {  	s18 =	sld [smem:$0x3FFB];
	_ =	sdelay $0x3  }
0x92: {  	_ =	strace s18  }
0x93: {  	s3 =	sld [smem:$0x3FFC];
	_ =	sdelay $0x3  }
0x94: {  	_ =	strace s3  }
0x95: {  	s3 =	sld [smem:$0x3FFD];
	_ =	sdelay $0x3  }
0x96: {  	_ =	strace s3  }
0x97: {  	_ =	strace $0x8FFFFFFF  }
0x98: {  	s19 =	sld [smem:$0x3FDB];
	_ =	sdelay $0x1  }
0x99: {  	s4 =	simm.s32 $_scs_section_size  }
0x9a: {  	s5 =	simm.s32 $_size__tile_overlayer_lowered;
	s6 =	simm.s32 $_tile_overlayer_lowered  }
0x9b: {  	s22 =	simm.s32 $0x1BFF;
	s21 =	sshll.u32 s6, $0x1;
	s3 =	sadd.s32 s4, s19  }
0x9c: {  	s7 =	simm.s32 $0x0;
	s20 =	sshll.u32 s5, $0x1;
	s5 =	sadd.s32 s21, s3  }
0x9d: {  	[timem:s7], [sflag:s22] =	dma.local [hbm:s5], s20  }
0x9e: {  	_ =	swait.ge [sflag:s22], s20  }
0x9f: {  	s4 =	ssub.s32 $0x0, s20;
	[sflag:s22] =	ssyncset.done $0x0  }
0xa0: {  	[sflag:s22] =	ssyncadd.s32 s4;
	_ =	sdelay $0x1  }
0xa1: {  	s23 =	simm.s32 $0x1B8B  }
0xa2: {  	_ =	swait.ge [sflag:s23], $0x1  }
0xa3: {  	[sflag:s23] =	ssyncset.done $0x0  }
0xa4: {  	s25 =	simm.s32 $0x1B8E;
	s24 =	sld [smem:$0x3FFE];
	[sflag:s23] =	ssyncadd.s32 $0xFFFFFFFF  }
0xa5: {  	s26 =	simm.s32 $execute0_lowered;
	[smem:$0x3FD2] =	sst s25  }
0xa6: {  	s5 =	sshll.u32 s26, $0x1;
	_ =	strace $0x8000004C;
	[dreg:$0x1] =	wrdreg $0xFFFFFFFF  }
0xa7: {  	s28 =	simm.s32 $_size_execute0_lowered;
	s3 =	sadd.s32 s3, s5;
	[dreg:$0x0] =	wrdreg $0x0  }
0xa8: {  	s5 =	sshll.u32 s28, $0x1;
	[dreg:$0x2] =	wrdreg s3  }
0xa9: {  	[dreg:$0x3] =	wrdreg s5  }
0xaa: {  	[dreg:$0x4] =	wrdreg $0xC0  }
0xab: {  	_ =	task [dreg:s7], $0x5FFFF  }
0xac: {  	[dreg:$0x1] =	wrdreg $0xFFFFFFFF  }
0xad: {  	[dreg:$0x0] =	wrdreg $0x60  }
0xae: {  	[dreg:$0x2] =	wrdreg s24  }
0xaf: {  	[dreg:$0x3] =	wrdreg s2  }
0xb0: {  	[dreg:$0x4] =	wrdreg $0xC0000  }
0xb1: {  	[dreg:$0x5] =	wrdreg $0x9  }
0xb2: {  	_ =	task.clear_ibuf [dreg:s7], $0x6FFFF;
	_ =	strace $0x9000004C  }
0xb3: {  	s29 =	simm.s32 $0x9;
	_ =	strace $0x8000004E  }
0xb4: {  	_ =	swait.ge [sflag:s29], $0x1  }
0xb5: {  	[sflag:s29] =	ssyncadd.s32 $0xFFFFFFFF  }
0xb6: {  	_ =	strace $0x9000004E  }
0xb7: {  	_ =	sfence  }
0xb8: {  	s30 =	sld [smem:$0x0];
	_ =	sdelay $0x2  }
0xb9: {  	s31 =	sshll.u32 s1, $0xD;
	s1 =	sshrl.u32 s1, $0x2  }
0xba: {  	s3 =	sand.u32 $0x4000, s31;
	s1 =	sadd.s32 s1, s30  }
0xbb: {  	s0 =	sor.u32 s3, s0;
	s1 =	sshll.u32 s1, $0x11  }
0xbc: {  	s0 =	sor.u32 s1, s0  }
0xbd: {  	s0 =	sadd.s32 $0x8F2B, s0  }
0xbe: {  	[sflag:s0] =	ssyncadd.remote.s32 $0x1  }
0xbf: {  	_ =	sfence.sel $0xFFFF  }
0xc0: {  	[dreg:$0x0] =	wrdreg $0xFFFFFFFF;
	(pc) =	sbr.abs _section_cstart, $3  }
0xc1: {  	[dreg:$0x1] =	wrdreg $0xFFFFFFFF  }
0xc2: {  	_ =	task.clear_ibuf [dreg:s7], $0x2FFFF;
	_ =	strace $0x9FFFFFFF  }
0xc3: {  	(tm) =	ssettm $0x7FFFFFFF  }
tec
execute0_lowered:
.L_overlay_start_1:
0x0: {  	(tag) =	ssettag $0x1  }
0x1: {  	s5 =	rddreg [dreg:$0x0]  }
0x2: {  	s7 =	rddreg [dreg:$0x1]  }
0x3: {  	s1 =	rddreg [dreg:$0x2]  }
0x4: {  	s0 =	rddreg [dreg:$0x3];
	s3 =	simm.s32 $0x0;
	s4 =	srdreg.scid  }
0x5: {  	s2 =	stileid.u32;
	s15 =	simm.s32 $0x8000;
	s16 =	simm.s32 $0x1  }
0x6: {  	s17 =	simm.s32 $0x0;
	[smem:$0x7FF] =	sst s3;
	s6 =	sand.u32 $0x1, s4  }
0x7: {  	s24 =	sshll.u32 s2, $0x9;
	s8 =	smul.u32 $0x13C00, s2;
	s9 =	sshll.u32 s2, $0xB  }
0x8: {  	s4 =	sadd.s32 $0x83A00, s5;
	s29 =	smul.u32 $0x4F000, s2;
	s31 =	sshll.u32 s2, $0x6  }
0x9: {  	p0 =	seq.s32 s6, $0x0;
	s10 =	sor.u32 $0x8000, s24;
	s11 =	smul.u32 $0x13C000, s6  }
0xa: {  	_ =	strace $0x8000004D;
	s6 =	ssub.s32 $0x2, s6;
	s10 =	smov.u32 @p0 s9  }
0xb: {  	s12 =	sshrl.u32 s8, $0x3;
	s28 =	sshrl.u32 s6, $0x1;
	s30 =	sshrl.u32 s29, $0x2  }
0xc: {  	s9 =	sadd.s32 s10, s5;
	s8 =	sadd.s32 s8, s11;
	s25 =	sadd.s32 s12, s5  }
0xd: {  	s13 =	ssub.s32 s6, s28;
	s6 =	simm.s32 $0x80;
	s7 =	sadd.s32 s7, s10  }
0xe: {  	s14 =	sadd.s32 s30, s1;
	s12 =	simm.s32 $0x2;
	s8 =	sshrl.u32 s8, $0x3  }
0xf: {  	s6 =	simm.s32 @!p0 $0x20;
	s11 =	smax.u32 s13, $0x1;
	s13 =	sor.u32 $0x1C02, s31  }
0x10: {  	s14 =	sshrl.u32 s14, $0x3;
	s26 =	sadd.s32 s8, s5;
	s5 =	simm.s32 $0x80  }
0x11: {  	s8 =	sadd.s32 $0x2A00, s9;
	s9 =	sadd.s32 $0xCA00, s25;
	s10 =	sadd.s32 $0xAAC00, s26  }
.LBB2_1:
0x12: {  	[tilespmem:s3], [sflag:$0x2] =	stream.linear.gather [hbm4b:s7+s3], $0x4000, $0x38;
	[tilespmem:$0x1FC00] =	vst v63  }
0x13: {  	_ =	swait.ge [sflag:s12], $0x4000  }
0x14: {  	[sflag:s12] =	ssyncset.done $0x0  }
0x15: {  	s18 =	simm.s32 $0x4000;
	[sflag:s12] =	ssyncadd.s32 $0xFFFFC000  }
0x16: {  	[tilespmem:s18], [sflag:$0x2] =	stream.linear.gather [hbm4b:s8+s3], $0x4000, $0x38;
	[tilespmem:$0x1FC00] =	vst v63  }
0x17: {  	_ =	swait.ge [sflag:s12], $0x4000  }
0x18: {  	[sflag:s12] =	ssyncset.done $0x0  }
0x19: {  	[sflag:s12] =	ssyncadd.s32 $0xFFFFC000  }
0x1a: {  	[spmem:s14], [sflag:s13] =	dma.local [hbm:s9], $0x2780  }
0x1b: {  	_ =	swait.ge [sflag:s12], $0x2780  }
0x1c: {  	[sflag:s12] =	ssyncset.done $0x0  }
0x1d: {  	[sflag:s12] =	ssyncadd.s32 $0xFFFFD880  }
0x1e: {  	[bflag:$0x0] =	sbarrier.arrive $0xFFFF  }
0x1f: {  	[tilespmem:s15], [sflag:$0x1] =	stream.indirect.gather [hbm4b:s4+s5], $0x80, s3, s5, $0xb8;
	[tilespmem:$0x1FC00] =	vst v63  }
0x20: {  	p0 =	sne.s32 s6, $0x1;
	_ =	swait.ge [sflag:s16], $0x4000  }
.Ltmp0:
0x21: {  	[sflag:s16] =	ssyncset.done $0x0;
	(pc) =	sbr.rel @!p0 .LBB2_3-.Ltmp0, $4  }
0x22: {  	[sflag:s16] =	ssyncadd.s32 $0xFFFFC000  }
0x23: {  	[spmem:s1] =	stream.indirect.scatter.add.f32 [tilespmem:s15], [sflag:$0x2], $0x80, s18, s5, $0xb8;
	[tilespmem:$0x1FC00] =	vst v63  }
0x24: {  	_ =	swait.ge [sflag:s12], $0x4000  }
0x25: {  	s19 =	sadd.s32 $0xFFFFFFFF, s6;
	s20 =	simm.s32 $0x0;
	[sflag:s12] =	ssyncset.done $0x0  }
.LBB2_2:
0x26: {  	[sflag:s12] =	ssyncadd.s32 $0xFFFFC000;
	s20 =	sadd.s32 $0x80, s20;
	s18 =	sadd.s32 $0x80, s18  }
0x27: {  	[tilespmem:s15], [sflag:$0x1] =	stream.indirect.gather [hbm4b:s4+s5], $0x80, s20, s5, $0xb8;
	[tilespmem:$0x1FC00] =	vst v63  }
0x28: {  	p0 =	sne.s32 s19, $0x1;
	s19 =	sadd.s32 $0xFFFFFFFF, s19;
	_ =	swait.ge [sflag:s16], $0x4000  }
.Ltmp1:
0x29: {  	[sflag:s16] =	ssyncset.done $0x0;
	(pc) =	sbr.rel @p0 .LBB2_2-.Ltmp1, $4  }
0x2a: {  	[sflag:s16] =	ssyncadd.s32 $0xFFFFC000  }
0x2b: {  	[spmem:s1] =	stream.indirect.scatter.add.f32 [tilespmem:s15], [sflag:$0x2], $0x80, s18, s5, $0xb8;
	[tilespmem:$0x1FC00] =	vst v63  }
0x2c: {  	_ =	swait.ge [sflag:s12], $0x4000  }
0x2d: {  	[sflag:s12] =	ssyncset.done $0x0  }
.LBB2_3:
0x2e: {  	s17 =	sadd.s32 $0x1, s17  }
0x2f: {  	[sflag:s12] =	ssyncadd.s32 $0xFFFFC000;
	p0 =	sne.s32 s17, s11  }
.Ltmp2:
0x30: {  	[bflag:$0x0] =	sbarrier.arrive $0xFFFF;
	(pc) =	sbr.rel @p0 .LBB2_1-.Ltmp2, $4  }
0x31: {  	[hbm:s10], [sflag:s13] =	dma.local [spmem:s14], $0x2780  }
0x32: {  	_ =	swait.ge [sflag:s12], $0x2780  }
0x33: {  	[sflag:s12] =	ssyncset.done $0x0  }
0x34: {  	[sflag:s12] =	ssyncadd.s32 $0xFFFFD880  }
0x35: {  	_ =	sfence.sel $0x180000  }
0x36: {  	[bflag:$0x0] =	sbarrier.arrive $0xFFFF  }
0x37: {  	p0 =	sne.s32 s2, $0x0;
	_ =	strace $0x9000004D  }
0x38: {  	s0 =	sadd.s32 @!p0 $0x100000, s0;
	[bflag:$0x2] =	sbarrier.arrive $0xFFFF  }
0x39: {  	[sflag:s0] =	ssyncadd.tile.s32 @!p0 $0x1;
	_ =	shalt  }
.Lfunc_end2:
_tile_overlayer_lowered:
.L_overlay_start_2:
0x3a: {  	(tag) =	ssettag $0x2  }
0x3b: {  	s0 =	rddreg [dreg:$0x0];
	s2 =	stileid.u32  }
0x3c: {  	s1 =	rddreg [dreg:$0x1];
	p0 =	sne.s32 s2, $0x0  }
0x3d: {  	s3 =	rddreg [dreg:$0x2];
	[bflag:$0x3] =	sbarrier.arrive $0xFFFF;
	s2 =	simm.s32 @!p0 $0x1C02  }
0x3e: {  	[timem:s3], [sflag:s2] =	dma.local @!p0 [hbm:s0], s1  }
0x3f: {  	s0 =	simm.s32 @!p0 $0x2  }
0x40: {  	_ =	swait.ge @!p0 [sflag:s0], s1  }
0x41: {  	s1 =	ssub.s32 @!p0 $0x0, s1;
	[sflag:s0] =	ssyncset.done @!p0 $0x0  }
0x42: {  	[sflag:s0] =	ssyncadd.s32 @!p0 s1  }
0x43: {  	[bflag:$0x3] =	sbarrier.arrive $0xFFFF  }
0x44: {  	_ =	shalt  }

// kernel: _run.8.cloned.1.call-start
scs
__scs_entry_jumppad:
0x0: {  	(pc) =	sbr.rel $0x88, $3  }
0x1: {  	(tag) =	ssettag $0x0;
	lr =	simm.s32 $0x1  }
0x2: {  	[smem:$0x3F9B] =	sst lr;
	_ =	strace $0xD0000000  }
0x3: {  	_ = 	snop  }
0x4: {  	_ = 	snop  }
0x5: {  	_ = 	snop  }
0x6: {  	_ = 	snop  }
0x7: {  	_ = 	snop  }
__scs_overlays_trampoline_lowered:
0x8: {  	[smem:$0x3FAA] =	sst s0  }
0x9: {  	[smem:$0x3FAB] =	sst s1  }
0xa: {  	[smem:$0x3FAC] =	sst s2  }
0xb: {  	[smem:$0x3FAD] =	sst s3  }
0xc: {  	[smem:$0x3FAE] =	sst s4  }
0xd: {  	[smem:$0x3FAF] =	sst s5  }
0xe: {  	[smem:$0x3FB0] =	sst s6  }
0xf: {  	[smem:$0x3FB1] =	sst s7  }
0x10: {  	[smem:$0x3FB2] =	sst s8  }
0x11: {  	[smem:$0x3FB3] =	sst s9;
	s0 =	simm.s32 @!p0 $0x0  }
0x12: {  	s1 =	sld [smem:$0x3F99];
	s0 =	simm.s32 @p0 $0x1  }
0x13: {  	[smem:$0x3FB4] =	sst s0;
	s0 =	simm.s32 @!p1 $0x0  }
0x14: {  	s2 =	sld [smem:$0x3F98];
	s0 =	simm.s32 @p1 $0x1  }
0x15: {  	[smem:$0x3FB5] =	sst s0;
	s0 =	simm.s32 @!p2 $0x0  }
0x16: {  	s3 =	sld [smem:$0x3FDB];
	s0 =	simm.s32 @p2 $0x1  }
0x17: {  	s4 =	simm.s32 $0x1BF5;
	[smem:$0x3FB7] =	sst s0  }
0x18: {  	s0 =	sld [smem:$0x3F9A];
	_ =	swait.ge [sflag:s4], $0x0  }
0x19: {  	s7 =	sld [smem:$0x3F9B]  }
0x1a: {  	s8 =	sadd.s32 $0xFFFFE003, lr  }
0x1b: {  	s9 =	sadd.s32 $0xFFFFFEF7, lr;
	s5 =	simm.s32 $0xFFFFFFFF;
	p2 =	slt.u32 s8, $0xFFFFF086  }
0x1c: {  	p1 =	slt.u32 s9, $0xF7A;
	s5 =	simm.s32 @!p2 $0x0  }
0x1d: {  	s5 =	simm.s32 @p1 $0x1;
	p0 =	seq.s32 s7, s2  }
0x1e: {  	s7 =	smul.u32 @!p0 $0xF7A, s2;
	p2 =	seq.s32 @!p0 s5, $0x0  }
0x1f: {  	s9 =	smul.u32 $0xF7A, s1;
	s8 =	simm.s32 @!p0 $0x1BF5;
	p2 =	por !p2, p0  }
0x20: {  	[sflag:s8] =	ssyncset.s32 @!p0 $0xFFFFF086;
	s6 =	sadd.s32 @!p0 s3, s7;
	s7 =	simm.s32 @!p0 $0x108  }
0x21: {  	s3 =	sadd.s32 s3, s9;
	s6 =	sadd.s32 @!p0 $0x88, s6;
	s7 =	simm.s32 @p2 $0x1082  }
0x22: {  	[simem:s7], [sflag:s8] =	dma.local @!p0 [hbm:s6], $0xF7A  }
0x23: {  	s9 =	sor.u32 $0xD0000000, s2;
	s6 =	simm.s32 $0x108;
	_ =	swait.ge @!p0 [sflag:s8], $0x0  }
0x24: {  	s3 =	sadd.s32 $0x88, s3;
	s6 =	simm.s32 @!p1 $0x1082;
	[sflag:s4] =	ssyncset.s32 $0xFFFFF086  }
0x25: {  	[simem:s6], [sflag:s4] =	dma.local [hbm:s3], $0xF7A  }
0x26: {  	[smem:$0x3F9B] =	sst s1;
	(tag) =	ssettag s2;
	_ =	strace s9  }
0x27: {  	s1 =	sld [smem:$0x3FAB]  }
0x28: {  	s2 =	sld [smem:$0x3FAC]  }
0x29: {  	s4 =	sld [smem:$0x3FAE]  }
0x2a: {  	p0 =	seq.s32 s5, $0x0;
	s5 =	sld [smem:$0x3FAF]  }
0x2b: {  	s6 =	sld [smem:$0x3FB0]  }
0x2c: {  	s7 =	sld [smem:$0x3FB1]  }
0x2d: {  	s3 =	simm.s32 $0x108;
	s8 =	sld [smem:$0x3FB2]  }
0x2e: {  	s3 =	simm.s32 @!p0 $0x1082;
	s9 =	sld [smem:$0x3FB3]  }
0x2f: {  	lr =	sadd.s32 s0, s3;
	s0 =	sld [smem:$0x3FAA]  }
0x30: {  	s3 =	sld [smem:$0x3FAD]  }
0x31: {  	[smem:$0x3FB6] =	sst s10  }
0x32: {  	s10 =	sld [smem:$0x3FB4];
	_ =	sdelay $0x3  }
0x33: {  	p0 =	seq.s32 s10, $0x1;
	s10 =	sld [smem:$0x3FB6];
	_ =	sdelay $0x3  }
0x34: {  	[smem:$0x3FB6] =	sst s10  }
0x35: {  	s10 =	sld [smem:$0x3FB5];
	_ =	sdelay $0x3  }
0x36: {  	p1 =	seq.s32 s10, $0x1;
	s10 =	sld [smem:$0x3FB6];
	_ =	sdelay $0x3  }
0x37: {  	[smem:$0x3FB6] =	sst s10  }
0x38: {  	s10 =	sld [smem:$0x3FB7]  }
0x39: {  	_ = 	snop;
	(pc) =	sbr.ind lr, $3  }
0x3a: {  	_ = 	snop  }
0x3b: {  	_ = 	snop  }
0x3c: {  	p2 =	seq.s32 s10, $0x1;
	s10 =	sld [smem:$0x3FB6]  }
0x3d: {  	_ =	shalt  }
0x3e: {  	_ =	shalt  }
0x3f: {  	_ =	shalt  }
0x40: {  	_ =	shalt  }
0x41: {  	_ =	shalt  }
0x42: {  	_ =	shalt  }
0x43: {  	_ =	shalt  }
0x44: {  	_ =	shalt  }
0x45: {  	_ =	shalt  }
0x46: {  	_ =	shalt  }
0x47: {  	_ =	shalt  }
0x48: {  	_ =	shalt  }
0x49: {  	_ =	shalt  }
0x4a: {  	_ =	shalt  }
0x4b: {  	_ =	shalt  }
0x4c: {  	_ =	shalt  }
0x4d: {  	_ =	shalt  }
0x4e: {  	_ =	shalt  }
0x4f: {  	_ =	shalt  }
0x50: {  	_ =	shalt  }
0x51: {  	_ =	shalt  }
0x52: {  	_ =	shalt  }
0x53: {  	_ =	shalt  }
0x54: {  	_ =	shalt  }
0x55: {  	_ =	shalt  }
0x56: {  	_ =	shalt  }
0x57: {  	_ =	shalt  }
0x58: {  	_ =	shalt  }
0x59: {  	_ =	shalt  }
0x5a: {  	_ =	shalt  }
0x5b: {  	_ =	shalt  }
0x5c: {  	_ =	shalt  }
0x5d: {  	_ =	shalt  }
0x5e: {  	_ =	shalt  }
0x5f: {  	_ =	shalt  }
0x60: {  	_ =	shalt  }
0x61: {  	_ =	shalt  }
0x62: {  	_ =	shalt  }
0x63: {  	_ =	shalt  }
0x64: {  	_ =	shalt  }
0x65: {  	_ =	shalt  }
0x66: {  	_ =	shalt  }
0x67: {  	_ =	shalt  }
0x68: {  	_ =	shalt  }
0x69: {  	_ =	shalt  }
0x6a: {  	_ =	shalt  }
0x6b: {  	_ =	shalt  }
0x6c: {  	_ =	shalt  }
0x6d: {  	_ =	shalt  }
0x6e: {  	_ =	shalt  }
0x6f: {  	_ =	shalt  }
0x70: {  	_ =	shalt  }
0x71: {  	_ =	shalt  }
0x72: {  	_ =	shalt  }
0x73: {  	_ =	shalt  }
0x74: {  	_ =	shalt  }
0x75: {  	_ =	shalt  }
0x76: {  	_ =	shalt  }
0x77: {  	_ =	shalt  }
0x78: {  	_ =	shalt  }
0x79: {  	_ =	shalt  }
0x7a: {  	_ =	shalt  }
0x7b: {  	_ =	shalt  }
0x7c: {  	_ =	shalt  }
0x7d: {  	_ =	shalt  }
0x7e: {  	_ =	shalt  }
0x7f: {  	_ =	shalt  }
0x80: {  	_ =	shalt  }
0x81: {  	_ =	shalt  }
0x82: {  	_ =	shalt  }
0x83: {  	_ =	shalt  }
0x84: {  	_ =	shalt  }
0x85: {  	_ =	shalt  }
0x86: {  	_ =	shalt  }
0x87: {  	_ =	shalt  }
.Lfunc_end0:
.L_simem_size_0:
called_computation_lowered:
.L_overlay_start_0:
0x88: {  	s2 =	sld [smem:$0x3FD9]  }
0x89: {  	s3 =	sld [smem:$0x3FFE];
	_ =	sdelay $0x1  }
0x8a: {  	s1 =	srdreg.scid  }
0x8b: {  	s0 =	sand.u32 $0x1, s1  }
0x8c: {  	s16 =	sshll.u32 s0, $0xA;
	s2 =	sadd.s32 s3, s2  }
0x8d: {  	s2 =	sadd.s32 s2, s16  }
0x8e: {  	[smem:$0x3FC2] =	sst s2  }
0x8f: {  	_ = 	snop  }
0x90: {  	(tm) =	ssettm $0x1  }
0x91: {  	s17 =	sld [smem:$0x3FFB];
	_ =	sdelay $0x3  }
0x92: {  	_ =	strace s17  }
0x93: {  	s2 =	sld [smem:$0x3FFC];
	_ =	sdelay $0x3  }
0x94: {  	_ =	strace s2  }
0x95: {  	s2 =	sld [smem:$0x3FFD];
	_ =	sdelay $0x3  }
0x96: {  	_ =	strace s2  }
0x97: {  	_ =	strace $0x8FFFFFFF  }
0x98: {  	s18 =	sld [smem:$0x3FDB];
	_ =	sdelay $0x1  }
0x99: {  	s19 =	simm.s32 $_scs_section_size  }
0x9a: {  	s4 =	simm.s32 $_size__tile_overlayer_lowered;
	s5 =	simm.s32 $_tile_overlayer_lowered  }
0x9b: {  	s22 =	simm.s32 $0x1BFF;
	s21 =	sshll.u32 s5, $0x1;
	s2 =	sadd.s32 s19, s18  }
0x9c: {  	s6 =	simm.s32 $0x0;
	s20 =	sshll.u32 s4, $0x1;
	s4 =	sadd.s32 s21, s2  }
0x9d: {  	[timem:s6], [sflag:s22] =	dma.local [hbm:s4], s20  }
0x9e: {  	_ =	swait.ge [sflag:s22], s20  }
0x9f: {  	s3 =	ssub.s32 $0x0, s20;
	[sflag:s22] =	ssyncset.done $0x0  }
0xa0: {  	[sflag:s22] =	ssyncadd.s32 s3;
	_ =	sdelay $0x1  }
0xa1: {  	s23 =	simm.s32 $0x1B8B  }
0xa2: {  	_ =	swait.ge [sflag:s23], $0x1  }
0xa3: {  	[sflag:s23] =	ssyncset.done $0x0  }
0xa4: {  	s25 =	simm.s32 $0x1B8E;
	s24 =	sld [smem:$0x3FFE];
	[sflag:s23] =	ssyncadd.s32 $0xFFFFFFFF  }
0xa5: {  	s26 =	simm.s32 $execute0_lowered;
	[smem:$0x3FD2] =	sst s25  }
0xa6: {  	s4 =	sshll.u32 s26, $0x1;
	_ =	strace $0x80000046;
	[dreg:$0x1] =	wrdreg $0xFFFFFFFF  }
0xa7: {  	s28 =	simm.s32 $_size_execute0_lowered;
	s2 =	sadd.s32 s2, s4;
	[dreg:$0x0] =	wrdreg $0x0  }
0xa8: {  	s4 =	sshll.u32 s28, $0x1;
	[dreg:$0x2] =	wrdreg s2  }
0xa9: {  	[dreg:$0x3] =	wrdreg s4  }
0xaa: {  	[dreg:$0x4] =	wrdreg $0xC0  }
0xab: {  	_ =	task [dreg:s6], $0x5FFFF  }
0xac: {  	[dreg:$0x1] =	wrdreg $0xFFFFFFFF  }
0xad: {  	[dreg:$0x0] =	wrdreg $0x60  }
0xae: {  	[dreg:$0x2] =	wrdreg s24  }
0xaf: {  	[dreg:$0x3] =	wrdreg $0x68000  }
0xb0: {  	[dreg:$0x4] =	wrdreg $0x9  }
0xb1: {  	_ =	task.clear_ibuf [dreg:s6], $0x5FFFF;
	_ =	strace $0x90000046  }
0xb2: {  	s29 =	simm.s32 $0x9;
	_ =	strace $0x80000048  }
0xb3: {  	_ =	swait.ge [sflag:s29], $0x1  }
0xb4: {  	[sflag:s29] =	ssyncadd.s32 $0xFFFFFFFF  }
0xb5: {  	_ =	strace $0x90000048  }
0xb6: {  	_ =	sfence  }
0xb7: {  	s30 =	sld [smem:$0x0];
	_ =	sdelay $0x2  }
0xb8: {  	s31 =	sshll.u32 s1, $0xD;
	s1 =	sshrl.u32 s1, $0x2  }
0xb9: {  	s3 =	sand.u32 $0x4000, s31;
	s1 =	sadd.s32 s1, s30  }
0xba: {  	s0 =	sor.u32 s3, s0;
	s1 =	sshll.u32 s1, $0x11  }
0xbb: {  	s0 =	sor.u32 s1, s0  }
0xbc: {  	s0 =	sadd.s32 $0x8F2B, s0  }
0xbd: {  	[sflag:s0] =	ssyncadd.remote.s32 $0x1  }
0xbe: {  	_ =	sfence.sel $0xFFFF  }
0xbf: {  	[dreg:$0x0] =	wrdreg $0xFFFFFFFF;
	(pc) =	sbr.abs _section_cstart, $3  }
0xc0: {  	[dreg:$0x1] =	wrdreg $0xFFFFFFFF  }
0xc1: {  	_ =	task.clear_ibuf [dreg:s6], $0x2FFFF;
	_ =	strace $0x9FFFFFFF  }
0xc2: {  	(tm) =	ssettm $0x7FFFFFFF  }
0xc3: {  	_ =	shalt  }
tec
execute0_lowered:
.L_overlay_start_1:
0x0: {  	(tag) =	ssettag $0x1  }
0x1: {  	s1 =	srdreg.scid;
	s5 =	rddreg [dreg:$0x0]  }
0x2: {  	s0 =	stileid.u32;
	s2 =	rddreg [dreg:$0x1];
	s3 =	simm.s32 $0x0  }
0x3: {  	s13 =	simm.s32 $0x80;
	s14 =	simm.s32 $0x0;
	s6 =	sand.u32 $0x1, s1  }
0x4: {  	s28 =	sshll.u32 s0, $0x1;
	s1 =	rddreg [dreg:$0x2];
	s7 =	smul.u32 $0x13C00, s0  }
0x5: {  	[smem:$0x7FF] =	sst s3;
	s29 =	smul.u32 $0x4F000, s0;
	s31 =	sshll.u32 s0, $0x6  }
0x6: {  	s4 =	sor.u32 s6, s28;
	_ =	strace $0x80000047;
	s8 =	smul.u32 $0x13C000, s6  }
0x7: {  	s6 =	ssub.s32 $0x2, s6;
	s4 =	smul.u32 $0x500, s4;
	s10 =	sshrl.u32 s7, $0x3  }
0x8: {  	s11 =	sshrl.u32 s6, $0x1;
	s30 =	sshrl.u32 s29, $0x2;
	s7 =	sadd.s32 s7, s8  }
0x9: {  	s10 =	sadd.s32 s10, s5;
	s11 =	ssub.s32 s6, s11;
	s12 =	sadd.s32 s30, s2  }
0xa: {  	s9 =	sadd.s32 s4, s5;
	s4 =	sadd.s32 $0x34200, s5;
	s7 =	sshrl.u32 s7, $0x3  }
0xb: {  	s6 =	sadd.s32 $0xCA00, s10;
	s8 =	smax.u32 s11, $0x1;
	s10 =	simm.s32 $0x2800  }
0xc: {  	s11 =	sor.u32 $0x1C01, s31;
	s12 =	sshrl.u32 s12, $0x3;
	s7 =	sadd.s32 s7, s5  }
0xd: {  	s5 =	sadd.s32 $0x2A00, s9;
	s9 =	simm.s32 $0x1;
	s7 =	sadd.s32 $0x34A00, s7  }
.LBB2_1:
0xe: {  	[tilespmem:s3], [sflag:$0x1] =	stream.linear.gather [hbm4b:s5+s3], $0x2800, $0x38;
	[tilespmem:$0x1A400] =	vst v63  }
0xf: {  	_ =	swait.ge [sflag:s9], $0x2800  }
0x10: {  	[sflag:s9] =	ssyncset.done $0x0  }
0x11: {  	[sflag:s9] =	ssyncadd.s32 $0xFFFFD800  }
0x12: {  	[tilespmem:s10], [sflag:$0x1] =	stream.linear.gather [hbm4b:s4+s3], $0x4000, $0x38;
	[tilespmem:$0x1A400] =	vst v63  }
0x13: {  	_ =	swait.ge [sflag:s9], $0x4000  }
0x14: {  	[sflag:s9] =	ssyncset.done $0x0  }
0x15: {  	[sflag:s9] =	ssyncadd.s32 $0xFFFFC000  }
0x16: {  	[spmem:s12], [sflag:s11] =	dma.local [hbm:s6], $0x2780  }
0x17: {  	_ =	swait.ge [sflag:s9], $0x2780  }
0x18: {  	[sflag:s9] =	ssyncset.done $0x0  }
0x19: {  	[sflag:s9] =	ssyncadd.s32 $0xFFFFD880  }
0x1a: {  	s15 =	simm.s32 $0x0;
	[bflag:$0x0] =	sbarrier.arrive $0xFFFF  }
0x1b: {  	[spmem:s2] =	stream.indirect.scatter.add.f32 [tilespmem:s10], [sflag:$0x1], $0x80, s15, s13, $0xb8;
	[tilespmem:$0x1A400] =	vst v63  }
0x1c: {  	_ =	swait.ge [sflag:s9], $0x4000  }
0x1d: {  	s15 =	simm.s32 $0x200;
	[sflag:s9] =	ssyncset.done $0x0  }
.LBB2_2:
0x1e: {  	s16 =	sshra.s32 s15, $0x2;
	[sflag:s9] =	ssyncadd.s32 $0xFFFFC000;
	p0 =	sne.s32 s15, $0x9E00  }
0x1f: {  	[spmem:s2] =	stream.indirect.scatter.add.f32 [tilespmem:s10], [sflag:$0x1], $0x80, s16, s13, $0xb8;
	[tilespmem:$0x1A400] =	vst v63  }
.Ltmp0:
0x20: {  	_ = 	snop;
	(pc) =	sbr.rel @p0 .LBB2_2-.Ltmp0, $4  }
0x21: {  	_ = 	snop  }
0x22: {  	s15 =	sadd.s32 $0x200, s15  }
0x23: {  	_ =	swait.ge [sflag:s9], $0x4000  }
0x24: {  	[sflag:s9] =	ssyncset.done $0x0  }
0x25: {  	s14 =	sadd.s32 $0x1, s14  }
0x26: {  	[sflag:s9] =	ssyncadd.s32 $0xFFFFC000;
	p0 =	sne.s32 s14, s8  }
.Ltmp1:
0x27: {  	[bflag:$0x0] =	sbarrier.arrive $0xFFFF;
	(pc) =	sbr.rel @p0 .LBB2_1-.Ltmp1, $4  }
0x28: {  	[hbm:s7], [sflag:s11] =	dma.local [spmem:s12], $0x2780  }
0x29: {  	_ =	swait.ge [sflag:s9], $0x2780  }
0x2a: {  	[sflag:s9] =	ssyncset.done $0x0  }
0x2b: {  	[sflag:s9] =	ssyncadd.s32 $0xFFFFD880  }
0x2c: {  	_ =	sfence.sel $0x180000  }
0x2d: {  	[bflag:$0x0] =	sbarrier.arrive $0xFFFF  }
0x2e: {  	p0 =	sne.s32 s0, $0x0;
	_ =	strace $0x90000047  }
0x2f: {  	s0 =	sadd.s32 @!p0 $0x100000, s1;
	[bflag:$0x2] =	sbarrier.arrive $0xFFFF  }
0x30: {  	[sflag:s0] =	ssyncadd.tile.s32 @!p0 $0x1;
	_ =	shalt  }
.Lfunc_end2:
_tile_overlayer_lowered:
.L_overlay_start_2:
0x31: {  	(tag) =	ssettag $0x2  }
0x32: {  	s0 =	rddreg [dreg:$0x0];
	s2 =	stileid.u32  }
0x33: {  	s1 =	rddreg [dreg:$0x1];
	p0 =	sne.s32 s2, $0x0  }
0x34: {  	s3 =	rddreg [dreg:$0x2];
	[bflag:$0x3] =	sbarrier.arrive $0xFFFF;
	s2 =	simm.s32 @!p0 $0x1C01  }
0x35: {  	[timem:s3], [sflag:s2] =	dma.local @!p0 [hbm:s0], s1  }
0x36: {  	s0 =	simm.s32 @!p0 $0x1  }
0x37: {  	_ =	swait.ge @!p0 [sflag:s0], s1  }
0x38: {  	s1 =	ssub.s32 @!p0 $0x0, s1;
	[sflag:s0] =	ssyncset.done @!p0 $0x0  }
0x39: {  	[sflag:s0] =	ssyncadd.s32 @!p0 s1  }
0x3a: {  	[bflag:$0x3] =	sbarrier.arrive $0xFFFF  }
0x3b: {  	_ =	shalt  }

</sc_bundles>
